<compile_context>
chip_gen: v7x
topology: tpu7x:2x2x1
jax: 0.10.2.dev20260603
libtpu: 0.0.44.dev20260713+nightly
codegen_flags: <defaults>
</compile_context>

<pallas_src>
import functools

import jax
import jax.numpy as jnp
from jax import lax
from jax.experimental import pallas as pl
from jax.experimental.pallas import tpu as pltpu
from jax.experimental.pallas import tpu_sc as plsc

NK = 8192
D = 256
N = 8192
TM = 4096
GRID = N // TM
CH = 128


def _dist_argmin_body(x_ref, cb_ref, csq_ref, idx_ref, dmin_ref):
    x = x_ref[...]
    xsq = jnp.sum(x * x, axis=1, keepdims=True)
    m2 = lax.dot_general(x + x, cb_ref[...], (((1,), (1,)), ((), ())),
                         preferred_element_type=jnp.float32)
    best_v = None
    best_c = None
    for c in range(NK // CH):
        dc = (xsq + csq_ref[:, c * CH:(c + 1) * CH]) - m2[:, c * CH:(c + 1) * CH]
        if c == 0:
            best_v = dc
            best_c = jnp.zeros(dc.shape, jnp.float32)
        else:
            upd = dc < best_v
            best_v = jnp.minimum(dc, best_v)
            best_c = jnp.where(upd, float(c), best_c)
    lane = lax.broadcasted_iota(jnp.int32, (TM, CH), 1).astype(jnp.float32)
    kvec = best_c * float(CH) + lane
    gmin = jnp.min(best_v, axis=1, keepdims=True)
    idxf = jnp.min(jnp.where(best_v == gmin, kvec, float(NK)), axis=1)
    idx_ref[0, 0, :] = idxf.astype(jnp.int32)
    dmin_ref[0, 0, :] = gmin[:, 0]


def _dist_argmin(x, codebook, csq):
    return pl.pallas_call(
        _dist_argmin_body,
        grid=(GRID,),
        in_specs=[
            pl.BlockSpec((TM, D), lambda i: (i, 0)),
            pl.BlockSpec((NK, D), lambda i: (0, 0)),
            pl.BlockSpec((1, NK), lambda i: (0, 0)),
        ],
        out_specs=[
            pl.BlockSpec((1, 1, TM), lambda i: (i, 0, 0)),
            pl.BlockSpec((1, 1, TM), lambda i: (i, 0, 0)),
        ],
        out_shape=[
            jax.ShapeDtypeStruct((GRID, 1, TM), jnp.int32),
            jax.ShapeDtypeStruct((GRID, 1, TM), jnp.float32),
        ],
        compiler_params=pltpu.CompilerParams(
            dimension_semantics=("arbitrary",)),
    )(x, codebook, csq)


def _make_sc_gather():
    info = plsc.get_sparse_core_info()
    nc, ns = info.num_cores, info.num_subcores
    nw = nc * ns
    rows_per_w = N // nw
    chunk = 128
    nchunk = rows_per_w // chunk
    mesh = plsc.VectorSubcoreMesh(core_axis_name="c", subcore_axis_name="s")

    @functools.partial(
        pl.kernel, mesh=mesh,
        out_type=jax.ShapeDtypeStruct((N, D), jnp.float32),
        scratch_types=[
            pltpu.VMEM((nchunk, chunk), jnp.int32),
            pltpu.VMEM((chunk, D), jnp.float32),
            pltpu.VMEM((chunk, D), jnp.float32),
            pltpu.SemaphoreType.DMA,
            pltpu.SemaphoreType.DMA,
        ],
    )
    def gather(table_hbm, idx_hbm, out_hbm, idx_v, rows0, rows1, sem0, sem1):
        wid = lax.axis_index("s") * nc + lax.axis_index("c")
        base = wid * rows_per_w
        pltpu.sync_copy(idx_hbm.at[pl.ds(wid * nchunk, nchunk)], idx_v)
        c0 = pltpu.async_copy(table_hbm.at[idx_v.at[0]], rows0, sem0)
        c1 = pltpu.async_copy(table_hbm.at[idx_v.at[1]], rows1, sem1)
        c0.wait()
        pltpu.sync_copy(rows0, out_hbm.at[pl.ds(base, chunk)])
        c1.wait()
        pltpu.sync_copy(rows1, out_hbm.at[pl.ds(base + chunk, chunk)])

    return gather


_sc_gather = None


def kernel(inputs, codebook):
    global _sc_gather
    if _sc_gather is None:
        _sc_gather = _make_sc_gather()
    x = jnp.transpose(inputs, (0, 2, 3, 1)).reshape(N, D)
    csq = jnp.sum(codebook ** 2, axis=1).reshape(1, NK)
    idx3, dmin3 = _dist_argmin(x, codebook, csq)
    idx_flat = idx3.reshape(N)
    q = _sc_gather(codebook, idx_flat.reshape(N // 128, 128))
    e = jnp.sum(dmin3) / float(N * D)
    vq_loss = e + 0.25 * e
    out = jnp.transpose(q.reshape(8, 32, 32, D), (0, 3, 1, 2))
    return out, vq_loss, idx_flat.reshape(8, 32, 32)

# --- scband reference (transcript-rebuilt; emitter-appended) ---
"""Pipeline reference for scband-vector-quantizer-2903397892180 (READ-ONLY COPY).

The authoritative reference and input builder live on the scoring server;
editing this copy changes nothing except your own understanding.
"""

import jax, jax.numpy as jnp
import numpy as np

NUM_EMBEDDINGS = 8192
EMBEDDING_DIM = 256
COMMITMENT_COST = 0.25


def setup_inputs(seed: int = 0) -> dict:
    key = jax.random.key(seed)
    k1, k2 = jax.random.split(key)
    inputs = jax.random.normal(k1, (8, 256, 32, 32), dtype=jnp.float32)
    bound = 1.0 / NUM_EMBEDDINGS
    codebook = jax.random.uniform(k2, (NUM_EMBEDDINGS, EMBEDDING_DIM), dtype=jnp.float32, minval=-bound, maxval=bound)
    return {"inputs": inputs, "codebook": codebook}


def reference(inputs, codebook):
    # inputs: [B, C, H, W] with C == embedding_dim (4D path of original module)
    x = jnp.transpose(inputs, (0, 2, 3, 1))  # [B, H, W, C]
    input_shape = x.shape
    flat_input = x.reshape(-1, EMBEDDING_DIM)  # [N, D]
    distances = (jnp.sum(flat_input ** 2, axis=1, keepdims=True)
                 + jnp.sum(codebook ** 2, axis=1)
                 - 2.0 * jnp.matmul(flat_input, codebook.T))  # [N, K]
    encoding_indices = jnp.argmin(distances, axis=1)  # [N]
    quantized = jnp.take(codebook, encoding_indices, axis=0)  # [N, D]
    quantized = quantized.reshape(input_shape)  # [B, H, W, C]
    qf = quantized.reshape(flat_input.shape)
    e_latent_loss = jnp.mean((jax.lax.stop_gradient(qf) - flat_input) ** 2)
    q_latent_loss = jnp.mean((qf - jax.lax.stop_gradient(flat_input)) ** 2)
    vq_loss = e_latent_loss + COMMITMENT_COST * q_latent_loss
    quantized_st = x + jax.lax.stop_gradient(quantized - x)
    quantized_st = jnp.transpose(quantized_st, (0, 3, 1, 2))  # back to [B, C, H, W]
    indices_reshaped = encoding_indices.reshape(input_shape[:-1])  # [B, H, W]
    return (quantized_st, vq_loss, indices_reshaped)

if __name__ == "__main__":
    import jax
    _d = setup_inputs()
    print(jax.jit(kernel)(*tuple(_d.values())))

</pallas_src>

<mosaic_0001>
#map = affine_map<(d0, d1) -> (0, 0)>
module attributes {stable_mosaic.version = 14 : i64} {
  func.func @gather(%arg0: i32, %arg1: i32, %arg2: memref<8192x256xf32, #tpu.memory_space<hbm>>, %arg3: memref<64x128xi32, #tpu.memory_space<hbm>>, %arg4: memref<8192x256xf32, #tpu.memory_space<hbm>>, %arg5: memref<2x128xi32, #tpu.memory_space<vmem>>, %arg6: memref<128x256xf32, #tpu.memory_space<vmem>>, %arg7: memref<128x256xf32, #tpu.memory_space<vmem>>, %arg8: memref<!tpu.dma_semaphore, #tpu.memory_space<semaphore_mem>>, %arg9: memref<!tpu.dma_semaphore, #tpu.memory_space<semaphore_mem>>) attributes {dimension_semantics = [#tpu.dimension_semantics<core_parallel>, #tpu.dimension_semantics<subcore_parallel>], iteration_bounds = array<i64: 2, 16>, scalar_prefetch = 0 : i64, scratch_operands = 5 : i64, tpu.core_type = #tpu.core_type<sc_vector_subcore>, window_params = [{transform_indices = #map}, {transform_indices = #map}, {transform_indices = #map}]} {
    %mul3A = arith.constant 2 : i32
    %mul3A_0 = arith.muli %arg1, %mul3A : i32
    %add3A = arith.addi %mul3A_0, %arg0 : i32
    %mul3A_1 = arith.constant 256 : i32
    %mul3A_2 = arith.muli %add3A, %mul3A_1 : i32
    %mul3A_3 = arith.constant 2 : i32
    %mul3A_4 = arith.muli %add3A, %mul3A_3 : i32
    "tpu.region"() ({
      %run_scoped3A = tpu.sem_alloc : memref<!tpu.dma_semaphore, #tpu.memory_space<semaphore_mem>>
      %dma_start3A_33 = arith.constant 0 : i32
      %dma_start3A_34 = tpu.memref_slice %arg3[%mul3A_4, %dma_start3A_33] : memref<64x128xi32, #tpu.memory_space<hbm>> -> memref<2x128xi32, #tpu.memory_space<hbm>>
      %dma_start3A_35 = arith.constant 0 : i32
      %dma_start3A_36 = tpu.memref_slice %arg3[%mul3A_4, %dma_start3A_35] : memref<64x128xi32, #tpu.memory_space<hbm>> -> memref<2x128xi32, #tpu.memory_space<hbm>>
      tpu.enqueue_dma source(%dma_start3A_36 : memref<2x128xi32, #tpu.memory_space<hbm>>) target(%arg5 : memref<2x128xi32, #tpu.memory_space<vmem>>) target_semaphore(%run_scoped3A : memref<!tpu.dma_semaphore, #tpu.memory_space<semaphore_mem>>)
      %dma_wait3A_37 = arith.constant 0 : i32
      %dma_wait3A_38 = tpu.memref_slice %arg3[%mul3A_4, %dma_wait3A_37] : memref<64x128xi32, #tpu.memory_space<hbm>> -> memref<2x128xi32, #tpu.memory_space<hbm>>
      %dma_wait3A_39 = arith.constant 0 : i32
      %dma_wait3A_40 = tpu.memref_slice %arg3[%mul3A_4, %dma_wait3A_39] : memref<64x128xi32, #tpu.memory_space<hbm>> -> memref<2x128xi32, #tpu.memory_space<hbm>>
      tpu.wait_dma2 semaphore(%run_scoped3A : memref<!tpu.dma_semaphore, #tpu.memory_space<semaphore_mem>>) src(%dma_wait3A_40 : memref<2x128xi32, #tpu.memory_space<hbm>>) dst(%arg5 : memref<2x128xi32, #tpu.memory_space<vmem>>)
      tpu.yield
    }) : () -> ()
    %dma_start3A = arith.constant 0 : i32
    %dma_start3A_5 = arith.constant 0 : i32
    %dma_start3A_6 = tpu.memref_slice %arg5[%dma_start3A, %dma_start3A_5] : memref<2x128xi32, #tpu.memory_space<vmem>> -> memref<1x128xi32, #tpu.memory_space<vmem>>
    %dma_start3A_7 = tpu.memref_squeeze %dma_start3A_6 : memref<1x128xi32, #tpu.memory_space<vmem>> -> memref<128xi32, #tpu.memory_space<vmem>>
    %dma_start3A_8 = arith.constant 0 : i32
    %dma_start3A_9 = arith.constant 0 : i32
    %dma_start3A_10 = tpu.memref_slice %arg2[%dma_start3A_8, %dma_start3A_9] : memref<8192x256xf32, #tpu.memory_space<hbm>> -> memref<8192x256xf32, #tpu.memory_space<hbm>>
    tpu.enqueue_indirect_dma source(%dma_start3A_10 : memref<8192x256xf32, #tpu.memory_space<hbm>>) target(%arg6 : memref<128x256xf32, #tpu.memory_space<vmem>>) offsets(%dma_start3A_7 : memref<128xi32, #tpu.memory_space<vmem>>) semaphore(%arg8 : memref<!tpu.dma_semaphore, #tpu.memory_space<semaphore_mem>>)
    %dma_start3A_11 = arith.constant 1 : i32
    %dma_start3A_12 = arith.constant 0 : i32
    %dma_start3A_13 = tpu.memref_slice %arg5[%dma_start3A_11, %dma_start3A_12] : memref<2x128xi32, #tpu.memory_space<vmem>> -> memref<1x128xi32, #tpu.memory_space<vmem>>
    %dma_start3A_14 = tpu.memref_squeeze %dma_start3A_13 : memref<1x128xi32, #tpu.memory_space<vmem>> -> memref<128xi32, #tpu.memory_space<vmem>>
    %dma_start3A_15 = arith.constant 0 : i32
    %dma_start3A_16 = arith.constant 0 : i32
    %dma_start3A_17 = tpu.memref_slice %arg2[%dma_start3A_15, %dma_start3A_16] : memref<8192x256xf32, #tpu.memory_space<hbm>> -> memref<8192x256xf32, #tpu.memory_space<hbm>>
    tpu.enqueue_indirect_dma source(%dma_start3A_17 : memref<8192x256xf32, #tpu.memory_space<hbm>>) target(%arg7 : memref<128x256xf32, #tpu.memory_space<vmem>>) offsets(%dma_start3A_14 : memref<128xi32, #tpu.memory_space<vmem>>) semaphore(%arg9 : memref<!tpu.dma_semaphore, #tpu.memory_space<semaphore_mem>>)
    %dma_wait3A = arith.constant 0 : i32
    %dma_wait3A_18 = arith.constant 0 : i32
    %dma_wait3A_19 = tpu.memref_slice %arg5[%dma_wait3A, %dma_wait3A_18] : memref<2x128xi32, #tpu.memory_space<vmem>> -> memref<1x128xi32, #tpu.memory_space<vmem>>
    %dma_wait3A_20 = tpu.memref_squeeze %dma_wait3A_19 : memref<1x128xi32, #tpu.memory_space<vmem>> -> memref<128xi32, #tpu.memory_space<vmem>>
    %dma_wait3A_21 = arith.constant 0 : i32
    %dma_wait3A_22 = arith.constant 0 : i32
    %dma_wait3A_23 = tpu.memref_slice %arg2[%dma_wait3A_21, %dma_wait3A_22] : memref<8192x256xf32, #tpu.memory_space<hbm>> -> memref<8192x256xf32, #tpu.memory_space<hbm>>
    tpu.wait_indirect_dma semaphore(%arg8 : memref<!tpu.dma_semaphore, #tpu.memory_space<semaphore_mem>>) src(%dma_wait3A_23 : memref<8192x256xf32, #tpu.memory_space<hbm>>) dst(%arg6 : memref<128x256xf32, #tpu.memory_space<vmem>>)
    "tpu.region"() ({
      %run_scoped3A = tpu.sem_alloc : memref<!tpu.dma_semaphore, #tpu.memory_space<semaphore_mem>>
      %dma_start3A_33 = arith.constant 0 : i32
      %dma_start3A_34 = tpu.memref_slice %arg4[%mul3A_2, %dma_start3A_33] : memref<8192x256xf32, #tpu.memory_space<hbm>> -> memref<128x256xf32, #tpu.memory_space<hbm>>
      %dma_start3A_35 = arith.constant 0 : i32
      %dma_start3A_36 = tpu.memref_slice %arg4[%mul3A_2, %dma_start3A_35] : memref<8192x256xf32, #tpu.memory_space<hbm>> -> memref<128x256xf32, #tpu.memory_space<hbm>>
      tpu.enqueue_dma source(%arg6 : memref<128x256xf32, #tpu.memory_space<vmem>>) target(%dma_start3A_36 : memref<128x256xf32, #tpu.memory_space<hbm>>) target_semaphore(%run_scoped3A : memref<!tpu.dma_semaphore, #tpu.memory_space<semaphore_mem>>)
      %dma_wait3A_37 = arith.constant 0 : i32
      %dma_wait3A_38 = tpu.memref_slice %arg4[%mul3A_2, %dma_wait3A_37] : memref<8192x256xf32, #tpu.memory_space<hbm>> -> memref<128x256xf32, #tpu.memory_space<hbm>>
      %dma_wait3A_39 = arith.constant 0 : i32
      %dma_wait3A_40 = tpu.memref_slice %arg4[%mul3A_2, %dma_wait3A_39] : memref<8192x256xf32, #tpu.memory_space<hbm>> -> memref<128x256xf32, #tpu.memory_space<hbm>>
      tpu.wait_dma2 semaphore(%run_scoped3A : memref<!tpu.dma_semaphore, #tpu.memory_space<semaphore_mem>>) src(%arg6 : memref<128x256xf32, #tpu.memory_space<vmem>>) dst(%dma_wait3A_40 : memref<128x256xf32, #tpu.memory_space<hbm>>)
      tpu.yield
    }) : () -> ()
    %dma_wait3A_24 = arith.constant 1 : i32
    %dma_wait3A_25 = arith.constant 0 : i32
    %dma_wait3A_26 = tpu.memref_slice %arg5[%dma_wait3A_24, %dma_wait3A_25] : memref<2x128xi32, #tpu.memory_space<vmem>> -> memref<1x128xi32, #tpu.memory_space<vmem>>
    %dma_wait3A_27 = tpu.memref_squeeze %dma_wait3A_26 : memref<1x128xi32, #tpu.memory_space<vmem>> -> memref<128xi32, #tpu.memory_space<vmem>>
    %dma_wait3A_28 = arith.constant 0 : i32
    %dma_wait3A_29 = arith.constant 0 : i32
    %dma_wait3A_30 = tpu.memref_slice %arg2[%dma_wait3A_28, %dma_wait3A_29] : memref<8192x256xf32, #tpu.memory_space<hbm>> -> memref<8192x256xf32, #tpu.memory_space<hbm>>
    tpu.wait_indirect_dma semaphore(%arg9 : memref<!tpu.dma_semaphore, #tpu.memory_space<semaphore_mem>>) src(%dma_wait3A_30 : memref<8192x256xf32, #tpu.memory_space<hbm>>) dst(%arg7 : memref<128x256xf32, #tpu.memory_space<vmem>>)
    %add3A_31 = arith.constant 128 : i32
    %add3A_32 = arith.addi %mul3A_2, %add3A_31 : i32
    "tpu.region"() ({
      %run_scoped3A = tpu.sem_alloc : memref<!tpu.dma_semaphore, #tpu.memory_space<semaphore_mem>>
      %dma_start3A_33 = arith.constant 0 : i32
      %dma_start3A_34 = tpu.memref_slice %arg4[%add3A_32, %dma_start3A_33] : memref<8192x256xf32, #tpu.memory_space<hbm>> -> memref<128x256xf32, #tpu.memory_space<hbm>>
      %dma_start3A_35 = arith.constant 0 : i32
      %dma_start3A_36 = tpu.memref_slice %arg4[%add3A_32, %dma_start3A_35] : memref<8192x256xf32, #tpu.memory_space<hbm>> -> memref<128x256xf32, #tpu.memory_space<hbm>>
      tpu.enqueue_dma source(%arg7 : memref<128x256xf32, #tpu.memory_space<vmem>>) target(%dma_start3A_36 : memref<128x256xf32, #tpu.memory_space<hbm>>) target_semaphore(%run_scoped3A : memref<!tpu.dma_semaphore, #tpu.memory_space<semaphore_mem>>)
      %dma_wait3A_37 = arith.constant 0 : i32
      %dma_wait3A_38 = tpu.memref_slice %arg4[%add3A_32, %dma_wait3A_37] : memref<8192x256xf32, #tpu.memory_space<hbm>> -> memref<128x256xf32, #tpu.memory_space<hbm>>
      %dma_wait3A_39 = arith.constant 0 : i32
      %dma_wait3A_40 = tpu.memref_slice %arg4[%add3A_32, %dma_wait3A_39] : memref<8192x256xf32, #tpu.memory_space<hbm>> -> memref<128x256xf32, #tpu.memory_space<hbm>>
      tpu.wait_dma2 semaphore(%run_scoped3A : memref<!tpu.dma_semaphore, #tpu.memory_space<semaphore_mem>>) src(%arg7 : memref<128x256xf32, #tpu.memory_space<vmem>>) dst(%dma_wait3A_40 : memref<128x256xf32, #tpu.memory_space<hbm>>)
      tpu.yield
    }) : () -> ()
    return
  }
}

module attributes {stable_mosaic.version = 14 : i64} {
  func.func @_dist_argmin_body(%arg0: i32, %arg1: memref<4096x256xf32, #tpu.memory_space<vmem>>, %arg2: memref<8192x256xf32, #tpu.memory_space<vmem>>, %arg3: memref<1x8192xf32, #tpu.memory_space<vmem>>, %arg4: memref<1x1x4096xi32, #tpu.memory_space<vmem>>, %arg5: memref<1x1x4096xf32, #tpu.memory_space<vmem>>) attributes {dimension_semantics = [#tpu.dimension_semantics<arbitrary>], iteration_bounds = array<i64: 2>, scalar_prefetch = 0 : i64, scratch_operands = 0 : i64, tpu.core_type = #tpu.core_type<tc>, window_params = [{transform_indices = @transform_0, window_bounds = array<i64: 4096, 256>}, {pipeline_mode = #tpu.pipeline_mode<synchronous>, transform_indices = @transform_1, window_bounds = array<i64: 8192, 256>}, {pipeline_mode = #tpu.pipeline_mode<synchronous>, transform_indices = @transform_2, window_bounds = array<i64: 1, 8192>}, {transform_indices = @transform_3, window_bounds = array<i64: 1, 1, 4096>}, {transform_indices = @transform_4, window_bounds = array<i64: 1, 1, 4096>}]} {
    %get3A = arith.constant 0 : index
    %get3A_0 = arith.constant 0 : index
    %get3A_1 = vector.load %arg1[%get3A, %get3A_0] : memref<4096x256xf32, #tpu.memory_space<vmem>>, vector<4096x256xf32>
    %mul3A = arith.mulf %get3A_1, %get3A_1 : vector<4096x256xf32>
    %reduce_sum3A = arith.constant dense<0.000000e+00> : vector<4096xf32>
    %reduce_sum3A_2 = vector.multi_reduction <add>, %mul3A, %reduce_sum3A [1] : vector<4096x256xf32> to vector<4096xf32>
    %broadcast_in_dim3A = vector.shape_cast %reduce_sum3A_2 : vector<4096xf32> to vector<4096x1xf32>
    %add3A = arith.addf %get3A_1, %get3A_1 : vector<4096x256xf32>
    %get3A_3 = arith.constant 0 : index
    %get3A_4 = arith.constant 0 : index
    %get3A_5 = vector.load %arg2[%get3A_3, %get3A_4] : memref<8192x256xf32, #tpu.memory_space<vmem>>, vector<8192x256xf32>
    %dot_general3A = arith.constant dense<0.000000e+00> : vector<4096x8192xf32>
    %dot_general3A_6 = tpu.matmul %add3A, %get3A_5, %dot_general3A {dimension_numbers = #tpu.dot_dimension_numbers<[1], [1], [0], [0], [0, 0, 1, 0], [], []>, transpose_lhs_hint = false} : vector<4096x256xf32>, vector<8192x256xf32>, vector<4096x8192xf32> -> vector<4096x8192xf32>
    %get3A_7 = arith.constant 0 : index
    %get3A_8 = arith.constant 0 : index
    %get3A_9 = vector.load %arg3[%get3A_7, %get3A_8] : memref<1x8192xf32, #tpu.memory_space<vmem>>, vector<1x128xf32>
    %add3A_10 = vector.broadcast %broadcast_in_dim3A : vector<4096x1xf32> to vector<4096x128xf32>
    %add3A_11 = vector.broadcast %get3A_9 : vector<1x128xf32> to vector<4096x128xf32>
    %add3A_12 = arith.addf %add3A_10, %add3A_11 : vector<4096x128xf32>
    %slice3A = vector.extract_strided_slice %dot_general3A_6 {offsets = [0, 0], sizes = [4096, 128], strides = [1, 1]} : vector<4096x8192xf32> to vector<4096x128xf32>
    %sub3A = arith.subf %add3A_12, %slice3A : vector<4096x128xf32>
    %broadcast_in_dim3A_13 = arith.constant 0.000000e+00 : f32
    %broadcast_in_dim3A_14 = vector.broadcast %broadcast_in_dim3A_13 : f32 to vector<4096x128xf32>
    %get3A_15 = arith.constant 0 : index
    %get3A_16 = arith.constant 128 : index
    %get3A_17 = vector.load %arg3[%get3A_15, %get3A_16] : memref<1x8192xf32, #tpu.memory_space<vmem>>, vector<1x128xf32>
    %add3A_18 = vector.broadcast %broadcast_in_dim3A : vector<4096x1xf32> to vector<4096x128xf32>
    %add3A_19 = vector.broadcast %get3A_17 : vector<1x128xf32> to vector<4096x128xf32>
    %add3A_20 = arith.addf %add3A_18, %add3A_19 : vector<4096x128xf32>
    %slice3A_21 = vector.extract_strided_slice %dot_general3A_6 {offsets = [0, 128], sizes = [4096, 128], strides = [1, 1]} : vector<4096x8192xf32> to vector<4096x128xf32>
    %sub3A_22 = arith.subf %add3A_20, %slice3A_21 : vector<4096x128xf32>
    %lt3A = arith.cmpf olt, %sub3A_22, %sub3A : vector<4096x128xf32>
    %min3A = arith.minimumf %sub3A_22, %sub3A : vector<4096x128xf32>
    %jit3A = arith.constant 1.000000e+00 : f32
    %broadcast_in_dim3A_23 = vector.broadcast %jit3A : f32 to vector<4096x128xf32>
    %select_n3A = arith.select %lt3A, %broadcast_in_dim3A_23, %broadcast_in_dim3A_14 : vector<4096x128xi1>, vector<4096x128xf32>
    %get3A_24 = arith.constant 0 : index
    %get3A_25 = arith.constant 256 : index
    %get3A_26 = vector.load %arg3[%get3A_24, %get3A_25] : memref<1x8192xf32, #tpu.memory_space<vmem>>, vector<1x128xf32>
    %add3A_27 = vector.broadcast %broadcast_in_dim3A : vector<4096x1xf32> to vector<4096x128xf32>
    %add3A_28 = vector.broadcast %get3A_26 : vector<1x128xf32> to vector<4096x128xf32>
    %add3A_29 = arith.addf %add3A_27, %add3A_28 : vector<4096x128xf32>
    %slice3A_30 = vector.extract_strided_slice %dot_general3A_6 {offsets = [0, 256], sizes = [4096, 128], strides = [1, 1]} : vector<4096x8192xf32> to vector<4096x128xf32>
    %sub3A_31 = arith.subf %add3A_29, %slice3A_30 : vector<4096x128xf32>
    %lt3A_32 = arith.cmpf olt, %sub3A_31, %min3A : vector<4096x128xf32>
    %min3A_33 = arith.minimumf %sub3A_31, %min3A : vector<4096x128xf32>
    %jit3A_34 = arith.constant 2.000000e+00 : f32
    %broadcast_in_dim3A_35 = vector.broadcast %jit3A_34 : f32 to vector<4096x128xf32>
    %select_n3A_36 = arith.select %lt3A_32, %broadcast_in_dim3A_35, %select_n3A : vector<4096x128xi1>, vector<4096x128xf32>
    %get3A_37 = arith.constant 0 : index
    %get3A_38 = arith.constant 384 : index
    %get3A_39 = vector.load %arg3[%get3A_37, %get3A_38] : memref<1x8192xf32, #tpu.memory_space<vmem>>, vector<1x128xf32>
    %add3A_40 = vector.broadcast %broadcast_in_dim3A : vector<4096x1xf32> to vector<4096x128xf32>
    %add3A_41 = vector.broadcast %get3A_39 : vector<1x128xf32> to vector<4096x128xf32>
    %add3A_42 = arith.addf %add3A_40, %add3A_41 : vector<4096x128xf32>
    %slice3A_43 = vector.extract_strided_slice %dot_general3A_6 {offsets = [0, 384], sizes = [4096, 128], strides = [1, 1]} : vector<4096x8192xf32> to vector<4096x128xf32>
    %sub3A_44 = arith.subf %add3A_42, %slice3A_43 : vector<4096x128xf32>
    %lt3A_45 = arith.cmpf olt, %sub3A_44, %min3A_33 : vector<4096x128xf32>
    %min3A_46 = arith.minimumf %sub3A_44, %min3A_33 : vector<4096x128xf32>
    %jit3A_47 = arith.constant 3.000000e+00 : f32
    %broadcast_in_dim3A_48 = vector.broadcast %jit3A_47 : f32 to vector<4096x128xf32>
    %select_n3A_49 = arith.select %lt3A_45, %broadcast_in_dim3A_48, %select_n3A_36 : vector<4096x128xi1>, vector<4096x128xf32>
    %get3A_50 = arith.constant 0 : index
    %get3A_51 = arith.constant 512 : index
    %get3A_52 = vector.load %arg3[%get3A_50, %get3A_51] : memref<1x8192xf32, #tpu.memory_space<vmem>>, vector<1x128xf32>
    %add3A_53 = vector.broadcast %broadcast_in_dim3A : vector<4096x1xf32> to vector<4096x128xf32>
    %add3A_54 = vector.broadcast %get3A_52 : vector<1x128xf32> to vector<4096x128xf32>
    %add3A_55 = arith.addf %add3A_53, %add3A_54 : vector<4096x128xf32>
    %slice3A_56 = vector.extract_strided_slice %dot_general3A_6 {offsets = [0, 512], sizes = [4096, 128], strides = [1, 1]} : vector<4096x8192xf32> to vector<4096x128xf32>
    %sub3A_57 = arith.subf %add3A_55, %slice3A_56 : vector<4096x128xf32>
    %lt3A_58 = arith.cmpf olt, %sub3A_57, %min3A_46 : vector<4096x128xf32>
    %min3A_59 = arith.minimumf %sub3A_57, %min3A_46 : vector<4096x128xf32>
    %jit3A_60 = arith.constant 4.000000e+00 : f32
    %broadcast_in_dim3A_61 = vector.broadcast %jit3A_60 : f32 to vector<4096x128xf32>
    %select_n3A_62 = arith.select %lt3A_58, %broadcast_in_dim3A_61, %select_n3A_49 : vector<4096x128xi1>, vector<4096x128xf32>
    %get3A_63 = arith.constant 0 : index
    %get3A_64 = arith.constant 640 : index
    %get3A_65 = vector.load %arg3[%get3A_63, %get3A_64] : memref<1x8192xf32, #tpu.memory_space<vmem>>, vector<1x128xf32>
    %add3A_66 = vector.broadcast %broadcast_in_dim3A : vector<4096x1xf32> to vector<4096x128xf32>
    %add3A_67 = vector.broadcast %get3A_65 : vector<1x128xf32> to vector<4096x128xf32>
    %add3A_68 = arith.addf %add3A_66, %add3A_67 : vector<4096x128xf32>
    %slice3A_69 = vector.extract_strided_slice %dot_general3A_6 {offsets = [0, 640], sizes = [4096, 128], strides = [1, 1]} : vector<4096x8192xf32> to vector<4096x128xf32>
    %sub3A_70 = arith.subf %add3A_68, %slice3A_69 : vector<4096x128xf32>
    %lt3A_71 = arith.cmpf olt, %sub3A_70, %min3A_59 : vector<4096x128xf32>
    %min3A_72 = arith.minimumf %sub3A_70, %min3A_59 : vector<4096x128xf32>
    %jit3A_73 = arith.constant 5.000000e+00 : f32
    %broadcast_in_dim3A_74 = vector.broadcast %jit3A_73 : f32 to vector<4096x128xf32>
    %select_n3A_75 = arith.select %lt3A_71, %broadcast_in_dim3A_74, %select_n3A_62 : vector<4096x128xi1>, vector<4096x128xf32>
    %get3A_76 = arith.constant 0 : index
    %get3A_77 = arith.constant 768 : index
    %get3A_78 = vector.load %arg3[%get3A_76, %get3A_77] : memref<1x8192xf32, #tpu.memory_space<vmem>>, vector<1x128xf32>
    %add3A_79 = vector.broadcast %broadcast_in_dim3A : vector<4096x1xf32> to vector<4096x128xf32>
    %add3A_80 = vector.broadcast %get3A_78 : vector<1x128xf32> to vector<4096x128xf32>
    %add3A_81 = arith.addf %add3A_79, %add3A_80 : vector<4096x128xf32>
    %slice3A_82 = vector.extract_strided_slice %dot_general3A_6 {offsets = [0, 768], sizes = [4096, 128], strides = [1, 1]} : vector<4096x8192xf32> to vector<4096x128xf32>
    %sub3A_83 = arith.subf %add3A_81, %slice3A_82 : vector<4096x128xf32>
    %lt3A_84 = arith.cmpf olt, %sub3A_83, %min3A_72 : vector<4096x128xf32>
    %min3A_85 = arith.minimumf %sub3A_83, %min3A_72 : vector<4096x128xf32>
    %jit3A_86 = arith.constant 6.000000e+00 : f32
    %broadcast_in_dim3A_87 = vector.broadcast %jit3A_86 : f32 to vector<4096x128xf32>
    %select_n3A_88 = arith.select %lt3A_84, %broadcast_in_dim3A_87, %select_n3A_75 : vector<4096x128xi1>, vector<4096x128xf32>
    %get3A_89 = arith.constant 0 : index
    %get3A_90 = arith.constant 896 : index
    %get3A_91 = vector.load %arg3[%get3A_89, %get3A_90] : memref<1x8192xf32, #tpu.memory_space<vmem>>, vector<1x128xf32>
    %add3A_92 = vector.broadcast %broadcast_in_dim3A : vector<4096x1xf32> to vector<4096x128xf32>
    %add3A_93 = vector.broadcast %get3A_91 : vector<1x128xf32> to vector<4096x128xf32>
    %add3A_94 = arith.addf %add3A_92, %add3A_93 : vector<4096x128xf32>
    %slice3A_95 = vector.extract_strided_slice %dot_general3A_6 {offsets = [0, 896], sizes = [4096, 128], strides = [1, 1]} : vector<4096x8192xf32> to vector<4096x128xf32>
    %sub3A_96 = arith.subf %add3A_94, %slice3A_95 : vector<4096x128xf32>
    %lt3A_97 = arith.cmpf olt, %sub3A_96, %min3A_85 : vector<4096x128xf32>
    %min3A_98 = arith.minimumf %sub3A_96, %min3A_85 : vector<4096x128xf32>
    %jit3A_99 = arith.constant 7.000000e+00 : f32
    %broadcast_in_dim3A_100 = vector.broadcast %jit3A_99 : f32 to vector<4096x128xf32>
    %select_n3A_101 = arith.select %lt3A_97, %broadcast_in_dim3A_100, %select_n3A_88 : vector<4096x128xi1>, vector<4096x128xf32>
    %get3A_102 = arith.constant 0 : index
    %get3A_103 = arith.constant 1024 : index
    %get3A_104 = vector.load %arg3[%get3A_102, %get3A_103] : memref<1x8192xf32, #tpu.memory_space<vmem>>, vector<1x128xf32>
    %add3A_105 = vector.broadcast %broadcast_in_dim3A : vector<4096x1xf32> to vector<4096x128xf32>
    %add3A_106 = vector.broadcast %get3A_104 : vector<1x128xf32> to vector<4096x128xf32>
    %add3A_107 = arith.addf %add3A_105, %add3A_106 : vector<4096x128xf32>
    %slice3A_108 = vector.extract_strided_slice %dot_general3A_6 {offsets = [0, 1024], sizes = [4096, 128], strides = [1, 1]} : vector<4096x8192xf32> to vector<4096x128xf32>
    %sub3A_109 = arith.subf %add3A_107, %slice3A_108 : vector<4096x128xf32>
    %lt3A_110 = arith.cmpf olt, %sub3A_109, %min3A_98 : vector<4096x128xf32>
    %min3A_111 = arith.minimumf %sub3A_109, %min3A_98 : vector<4096x128xf32>
    %jit3A_112 = arith.constant 8.000000e+00 : f32
    %broadcast_in_dim3A_113 = vector.broadcast %jit3A_112 : f32 to vector<4096x128xf32>
    %select_n3A_114 = arith.select %lt3A_110, %broadcast_in_dim3A_113, %select_n3A_101 : vector<4096x128xi1>, vector<4096x128xf32>
    %get3A_115 = arith.constant 0 : index
    %get3A_116 = arith.constant 1152 : index
    %get3A_117 = vector.load %arg3[%get3A_115, %get3A_116] : memref<1x8192xf32, #tpu.memory_space<vmem>>, vector<1x128xf32>
    %add3A_118 = vector.broadcast %broadcast_in_dim3A : vector<4096x1xf32> to vector<4096x128xf32>
    %add3A_119 = vector.broadcast %get3A_117 : vector<1x128xf32> to vector<4096x128xf32>
    %add3A_120 = arith.addf %add3A_118, %add3A_119 : vector<4096x128xf32>
    %slice3A_121 = vector.extract_strided_slice %dot_general3A_6 {offsets = [0, 1152], sizes = [4096, 128], strides = [1, 1]} : vector<4096x8192xf32> to vector<4096x128xf32>
    %sub3A_122 = arith.subf %add3A_120, %slice3A_121 : vector<4096x128xf32>
    %lt3A_123 = arith.cmpf olt, %sub3A_122, %min3A_111 : vector<4096x128xf32>
    %min3A_124 = arith.minimumf %sub3A_122, %min3A_111 : vector<4096x128xf32>
    %jit3A_125 = arith.constant 9.000000e+00 : f32
    %broadcast_in_dim3A_126 = vector.broadcast %jit3A_125 : f32 to vector<4096x128xf32>
    %select_n3A_127 = arith.select %lt3A_123, %broadcast_in_dim3A_126, %select_n3A_114 : vector<4096x128xi1>, vector<4096x128xf32>
    %get3A_128 = arith.constant 0 : index
    %get3A_129 = arith.constant 1280 : index
    %get3A_130 = vector.load %arg3[%get3A_128, %get3A_129] : memref<1x8192xf32, #tpu.memory_space<vmem>>, vector<1x128xf32>
    %add3A_131 = vector.broadcast %broadcast_in_dim3A : vector<4096x1xf32> to vector<4096x128xf32>
    %add3A_132 = vector.broadcast %get3A_130 : vector<1x128xf32> to vector<4096x128xf32>
    %add3A_133 = arith.addf %add3A_131, %add3A_132 : vector<4096x128xf32>
    %slice3A_134 = vector.extract_strided_slice %dot_general3A_6 {offsets = [0, 1280], sizes = [4096, 128], strides = [1, 1]} : vector<4096x8192xf32> to vector<4096x128xf32>
    %sub3A_135 = arith.subf %add3A_133, %slice3A_134 : vector<4096x128xf32>
    %lt3A_136 = arith.cmpf olt, %sub3A_135, %min3A_124 : vector<4096x128xf32>
    %min3A_137 = arith.minimumf %sub3A_135, %min3A_124 : vector<4096x128xf32>
    %jit3A_138 = arith.constant 1.000000e+01 : f32
    %broadcast_in_dim3A_139 = vector.broadcast %jit3A_138 : f32 to vector<4096x128xf32>
    %select_n3A_140 = arith.select %lt3A_136, %broadcast_in_dim3A_139, %select_n3A_127 : vector<4096x128xi1>, vector<4096x128xf32>
    %get3A_141 = arith.constant 0 : index
    %get3A_142 = arith.constant 1408 : index
    %get3A_143 = vector.load %arg3[%get3A_141, %get3A_142] : memref<1x8192xf32, #tpu.memory_space<vmem>>, vector<1x128xf32>
    %add3A_144 = vector.broadcast %broadcast_in_dim3A : vector<4096x1xf32> to vector<4096x128xf32>
    %add3A_145 = vector.broadcast %get3A_143 : vector<1x128xf32> to vector<4096x128xf32>
    %add3A_146 = arith.addf %add3A_144, %add3A_145 : vector<4096x128xf32>
    %slice3A_147 = vector.extract_strided_slice %dot_general3A_6 {offsets = [0, 1408], sizes = [4096, 128], strides = [1, 1]} : vector<4096x8192xf32> to vector<4096x128xf32>
    %sub3A_148 = arith.subf %add3A_146, %slice3A_147 : vector<4096x128xf32>
    %lt3A_149 = arith.cmpf olt, %sub3A_148, %min3A_137 : vector<4096x128xf32>
    %min3A_150 = arith.minimumf %sub3A_148, %min3A_137 : vector<4096x128xf32>
    %jit3A_151 = arith.constant 1.100000e+01 : f32
    %broadcast_in_dim3A_152 = vector.broadcast %jit3A_151 : f32 to vector<4096x128xf32>
    %select_n3A_153 = arith.select %lt3A_149, %broadcast_in_dim3A_152, %select_n3A_140 : vector<4096x128xi1>, vector<4096x128xf32>
    %get3A_154 = arith.constant 0 : index
    %get3A_155 = arith.constant 1536 : index
    %get3A_156 = vector.load %arg3[%get3A_154, %get3A_155] : memref<1x8192xf32, #tpu.memory_space<vmem>>, vector<1x128xf32>
    %add3A_157 = vector.broadcast %broadcast_in_dim3A : vector<4096x1xf32> to vector<4096x128xf32>
    %add3A_158 = vector.broadcast %get3A_156 : vector<1x128xf32> to vector<4096x128xf32>
    %add3A_159 = arith.addf %add3A_157, %add3A_158 : vector<4096x128xf32>
    %slice3A_160 = vector.extract_strided_slice %dot_general3A_6 {offsets = [0, 1536], sizes = [4096, 128], strides = [1, 1]} : vector<4096x8192xf32> to vector<4096x128xf32>
    %sub3A_161 = arith.subf %add3A_159, %slice3A_160 : vector<4096x128xf32>
    %lt3A_162 = arith.cmpf olt, %sub3A_161, %min3A_150 : vector<4096x128xf32>
    %min3A_163 = arith.minimumf %sub3A_161, %min3A_150 : vector<4096x128xf32>
    %jit3A_164 = arith.constant 1.200000e+01 : f32
    %broadcast_in_dim3A_165 = vector.broadcast %jit3A_164 : f32 to vector<4096x128xf32>
    %select_n3A_166 = arith.select %lt3A_162, %broadcast_in_dim3A_165, %select_n3A_153 : vector<4096x128xi1>, vector<4096x128xf32>
    %get3A_167 = arith.constant 0 : index
    %get3A_168 = arith.constant 1664 : index
    %get3A_169 = vector.load %arg3[%get3A_167, %get3A_168] : memref<1x8192xf32, #tpu.memory_space<vmem>>, vector<1x128xf32>
    %add3A_170 = vector.broadcast %broadcast_in_dim3A : vector<4096x1xf32> to vector<4096x128xf32>
    %add3A_171 = vector.broadcast %get3A_169 : vector<1x128xf32> to vector<4096x128xf32>
    %add3A_172 = arith.addf %add3A_170, %add3A_171 : vector<4096x128xf32>
    %slice3A_173 = vector.extract_strided_slice %dot_general3A_6 {offsets = [0, 1664], sizes = [4096, 128], strides = [1, 1]} : vector<4096x8192xf32> to vector<4096x128xf32>
    %sub3A_174 = arith.subf %add3A_172, %slice3A_173 : vector<4096x128xf32>
    %lt3A_175 = arith.cmpf olt, %sub3A_174, %min3A_163 : vector<4096x128xf32>
    %min3A_176 = arith.minimumf %sub3A_174, %min3A_163 : vector<4096x128xf32>
    %jit3A_177 = arith.constant 1.300000e+01 : f32
    %broadcast_in_dim3A_178 = vector.broadcast %jit3A_177 : f32 to vector<4096x128xf32>
    %select_n3A_179 = arith.select %lt3A_175, %broadcast_in_dim3A_178, %select_n3A_166 : vector<4096x128xi1>, vector<4096x128xf32>
    %get3A_180 = arith.constant 0 : index
    %get3A_181 = arith.constant 1792 : index
    %get3A_182 = vector.load %arg3[%get3A_180, %get3A_181] : memref<1x8192xf32, #tpu.memory_space<vmem>>, vector<1x128xf32>
    %add3A_183 = vector.broadcast %broadcast_in_dim3A : vector<4096x1xf32> to vector<4096x128xf32>
    %add3A_184 = vector.broadcast %get3A_182 : vector<1x128xf32> to vector<4096x128xf32>
    %add3A_185 = arith.addf %add3A_183, %add3A_184 : vector<4096x128xf32>
    %slice3A_186 = vector.extract_strided_slice %dot_general3A_6 {offsets = [0, 1792], sizes = [4096, 128], strides = [1, 1]} : vector<4096x8192xf32> to vector<4096x128xf32>
    %sub3A_187 = arith.subf %add3A_185, %slice3A_186 : vector<4096x128xf32>
    %lt3A_188 = arith.cmpf olt, %sub3A_187, %min3A_176 : vector<4096x128xf32>
    %min3A_189 = arith.minimumf %sub3A_187, %min3A_176 : vector<4096x128xf32>
    %jit3A_190 = arith.constant 1.400000e+01 : f32
    %broadcast_in_dim3A_191 = vector.broadcast %jit3A_190 : f32 to vector<4096x128xf32>
    %select_n3A_192 = arith.select %lt3A_188, %broadcast_in_dim3A_191, %select_n3A_179 : vector<4096x128xi1>, vector<4096x128xf32>
    %get3A_193 = arith.constant 0 : index
    %get3A_194 = arith.constant 1920 : index
    %get3A_195 = vector.load %arg3[%get3A_193, %get3A_194] : memref<1x8192xf32, #tpu.memory_space<vmem>>, vector<1x128xf32>
    %add3A_196 = vector.broadcast %broadcast_in_dim3A : vector<4096x1xf32> to vector<4096x128xf32>
    %add3A_197 = vector.broadcast %get3A_195 : vector<1x128xf32> to vector<4096x128xf32>
    %add3A_198 = arith.addf %add3A_196, %add3A_197 : vector<4096x128xf32>
    %slice3A_199 = vector.extract_strided_slice %dot_general3A_6 {offsets = [0, 1920], sizes = [4096, 128], strides = [1, 1]} : vector<4096x8192xf32> to vector<4096x128xf32>
    %sub3A_200 = arith.subf %add3A_198, %slice3A_199 : vector<4096x128xf32>
    %lt3A_201 = arith.cmpf olt, %sub3A_200, %min3A_189 : vector<4096x128xf32>
    %min3A_202 = arith.minimumf %sub3A_200, %min3A_189 : vector<4096x128xf32>
    %jit3A_203 = arith.constant 1.500000e+01 : f32
    %broadcast_in_dim3A_204 = vector.broadcast %jit3A_203 : f32 to vector<4096x128xf32>
    %select_n3A_205 = arith.select %lt3A_201, %broadcast_in_dim3A_204, %select_n3A_192 : vector<4096x128xi1>, vector<4096x128xf32>
    %get3A_206 = arith.constant 0 : index
    %get3A_207 = arith.constant 2048 : index
    %get3A_208 = vector.load %arg3[%get3A_206, %get3A_207] : memref<1x8192xf32, #tpu.memory_space<vmem>>, vector<1x128xf32>
    %add3A_209 = vector.broadcast %broadcast_in_dim3A : vector<4096x1xf32> to vector<4096x128xf32>
    %add3A_210 = vector.broadcast %get3A_208 : vector<1x128xf32> to vector<4096x128xf32>
    %add3A_211 = arith.addf %add3A_209, %add3A_210 : vector<4096x128xf32>
    %slice3A_212 = vector.extract_strided_slice %dot_general3A_6 {offsets = [0, 2048], sizes = [4096, 128], strides = [1, 1]} : vector<4096x8192xf32> to vector<4096x128xf32>
    %sub3A_213 = arith.subf %add3A_211, %slice3A_212 : vector<4096x128xf32>
    %lt3A_214 = arith.cmpf olt, %sub3A_213, %min3A_202 : vector<4096x128xf32>
    %min3A_215 = arith.minimumf %sub3A_213, %min3A_202 : vector<4096x128xf32>
    %jit3A_216 = arith.constant 1.600000e+01 : f32
    %broadcast_in_dim3A_217 = vector.broadcast %jit3A_216 : f32 to vector<4096x128xf32>
    %select_n3A_218 = arith.select %lt3A_214, %broadcast_in_dim3A_217, %select_n3A_205 : vector<4096x128xi1>, vector<4096x128xf32>
    %get3A_219 = arith.constant 0 : index
    %get3A_220 = arith.constant 2176 : index
    %get3A_221 = vector.load %arg3[%get3A_219, %get3A_220] : memref<1x8192xf32, #tpu.memory_space<vmem>>, vector<1x128xf32>
    %add3A_222 = vector.broadcast %broadcast_in_dim3A : vector<4096x1xf32> to vector<4096x128xf32>
    %add3A_223 = vector.broadcast %get3A_221 : vector<1x128xf32> to vector<4096x128xf32>
    %add3A_224 = arith.addf %add3A_222, %add3A_223 : vector<4096x128xf32>
    %slice3A_225 = vector.extract_strided_slice %dot_general3A_6 {offsets = [0, 2176], sizes = [4096, 128], strides = [1, 1]} : vector<4096x8192xf32> to vector<4096x128xf32>
    %sub3A_226 = arith.subf %add3A_224, %slice3A_225 : vector<4096x128xf32>
    %lt3A_227 = arith.cmpf olt, %sub3A_226, %min3A_215 : vector<4096x128xf32>
    %min3A_228 = arith.minimumf %sub3A_226, %min3A_215 : vector<4096x128xf32>
    %jit3A_229 = arith.constant 1.700000e+01 : f32
    %broadcast_in_dim3A_230 = vector.broadcast %jit3A_229 : f32 to vector<4096x128xf32>
    %select_n3A_231 = arith.select %lt3A_227, %broadcast_in_dim3A_230, %select_n3A_218 : vector<4096x128xi1>, vector<4096x128xf32>
    %get3A_232 = arith.constant 0 : index
    %get3A_233 = arith.constant 2304 : index
    %get3A_234 = vector.load %arg3[%get3A_232, %get3A_233] : memref<1x8192xf32, #tpu.memory_space<vmem>>, vector<1x128xf32>
    %add3A_235 = vector.broadcast %broadcast_in_dim3A : vector<4096x1xf32> to vector<4096x128xf32>
    %add3A_236 = vector.broadcast %get3A_234 : vector<1x128xf32> to vector<4096x128xf32>
    %add3A_237 = arith.addf %add3A_235, %add3A_236 : vector<4096x128xf32>
    %slice3A_238 = vector.extract_strided_slice %dot_general3A_6 {offsets = [0, 2304], sizes = [4096, 128], strides = [1, 1]} : vector<4096x8192xf32> to vector<4096x128xf32>
    %sub3A_239 = arith.subf %add3A_237, %slice3A_238 : vector<4096x128xf32>
    %lt3A_240 = arith.cmpf olt, %sub3A_239, %min3A_228 : vector<4096x128xf32>
    %min3A_241 = arith.minimumf %sub3A_239, %min3A_228 : vector<4096x128xf32>
    %jit3A_242 = arith.constant 1.800000e+01 : f32
    %broadcast_in_dim3A_243 = vector.broadcast %jit3A_242 : f32 to vector<4096x128xf32>
    %select_n3A_244 = arith.select %lt3A_240, %broadcast_in_dim3A_243, %select_n3A_231 : vector<4096x128xi1>, vector<4096x128xf32>
    %get3A_245 = arith.constant 0 : index
    %get3A_246 = arith.constant 2432 : index
    %get3A_247 = vector.load %arg3[%get3A_245, %get3A_246] : memref<1x8192xf32, #tpu.memory_space<vmem>>, vector<1x128xf32>
    %add3A_248 = vector.broadcast %broadcast_in_dim3A : vector<4096x1xf32> to vector<4096x128xf32>
    %add3A_249 = vector.broadcast %get3A_247 : vector<1x128xf32> to vector<4096x128xf32>
    %add3A_250 = arith.addf %add3A_248, %add3A_249 : vector<4096x128xf32>
    %slice3A_251 = vector.extract_strided_slice %dot_general3A_6 {offsets = [0, 2432], sizes = [4096, 128], strides = [1, 1]} : vector<4096x8192xf32> to vector<4096x128xf32>
    %sub3A_252 = arith.subf %add3A_250, %slice3A_251 : vector<4096x128xf32>
    %lt3A_253 = arith.cmpf olt, %sub3A_252, %min3A_241 : vector<4096x128xf32>
    %min3A_254 = arith.minimumf %sub3A_252, %min3A_241 : vector<4096x128xf32>
    %jit3A_255 = arith.constant 1.900000e+01 : f32
    %broadcast_in_dim3A_256 = vector.broadcast %jit3A_255 : f32 to vector<4096x128xf32>
    %select_n3A_257 = arith.select %lt3A_253, %broadcast_in_dim3A_256, %select_n3A_244 : vector<4096x128xi1>, vector<4096x128xf32>
    %get3A_258 = arith.constant 0 : index
    %get3A_259 = arith.constant 2560 : index
    %get3A_260 = vector.load %arg3[%get3A_258, %get3A_259] : memref<1x8192xf32, #tpu.memory_space<vmem>>, vector<1x128xf32>
    %add3A_261 = vector.broadcast %broadcast_in_dim3A : vector<4096x1xf32> to vector<4096x128xf32>
    %add3A_262 = vector.broadcast %get3A_260 : vector<1x128xf32> to vector<4096x128xf32>
    %add3A_263 = arith.addf %add3A_261, %add3A_262 : vector<4096x128xf32>
    %slice3A_264 = vector.extract_strided_slice %dot_general3A_6 {offsets = [0, 2560], sizes = [4096, 128], strides = [1, 1]} : vector<4096x8192xf32> to vector<4096x128xf32>
    %sub3A_265 = arith.subf %add3A_263, %slice3A_264 : vector<4096x128xf32>
    %lt3A_266 = arith.cmpf olt, %sub3A_265, %min3A_254 : vector<4096x128xf32>
    %min3A_267 = arith.minimumf %sub3A_265, %min3A_254 : vector<4096x128xf32>
    %jit3A_268 = arith.constant 2.000000e+01 : f32
    %broadcast_in_dim3A_269 = vector.broadcast %jit3A_268 : f32 to vector<4096x128xf32>
    %select_n3A_270 = arith.select %lt3A_266, %broadcast_in_dim3A_269, %select_n3A_257 : vector<4096x128xi1>, vector<4096x128xf32>
    %get3A_271 = arith.constant 0 : index
    %get3A_272 = arith.constant 2688 : index
    %get3A_273 = vector.load %arg3[%get3A_271, %get3A_272] : memref<1x8192xf32, #tpu.memory_space<vmem>>, vector<1x128xf32>
    %add3A_274 = vector.broadcast %broadcast_in_dim3A : vector<4096x1xf32> to vector<4096x128xf32>
    %add3A_275 = vector.broadcast %get3A_273 : vector<1x128xf32> to vector<4096x128xf32>
    %add3A_276 = arith.addf %add3A_274, %add3A_275 : vector<4096x128xf32>
    %slice3A_277 = vector.extract_strided_slice %dot_general3A_6 {offsets = [0, 2688], sizes = [4096, 128], strides = [1, 1]} : vector<4096x8192xf32> to vector<4096x128xf32>
    %sub3A_278 = arith.subf %add3A_276, %slice3A_277 : vector<4096x128xf32>
    %lt3A_279 = arith.cmpf olt, %sub3A_278, %min3A_267 : vector<4096x128xf32>
    %min3A_280 = arith.minimumf %sub3A_278, %min3A_267 : vector<4096x128xf32>
    %jit3A_281 = arith.constant 2.100000e+01 : f32
    %broadcast_in_dim3A_282 = vector.broadcast %jit3A_281 : f32 to vector<4096x128xf32>
    %select_n3A_283 = arith.select %lt3A_279, %broadcast_in_dim3A_282, %select_n3A_270 : vector<4096x128xi1>, vector<4096x128xf32>
    %get3A_284 = arith.constant 0 : index
    %get3A_285 = arith.constant 2816 : index
    %get3A_286 = vector.load %arg3[%get3A_284, %get3A_285] : memref<1x8192xf32, #tpu.memory_space<vmem>>, vector<1x128xf32>
    %add3A_287 = vector.broadcast %broadcast_in_dim3A : vector<4096x1xf32> to vector<4096x128xf32>
    %add3A_288 = vector.broadcast %get3A_286 : vector<1x128xf32> to vector<4096x128xf32>
    %add3A_289 = arith.addf %add3A_287, %add3A_288 : vector<4096x128xf32>
    %slice3A_290 = vector.extract_strided_slice %dot_general3A_6 {offsets = [0, 2816], sizes = [4096, 128], strides = [1, 1]} : vector<4096x8192xf32> to vector<4096x128xf32>
    %sub3A_291 = arith.subf %add3A_289, %slice3A_290 : vector<4096x128xf32>
    %lt3A_292 = arith.cmpf olt, %sub3A_291, %min3A_280 : vector<4096x128xf32>
    %min3A_293 = arith.minimumf %sub3A_291, %min3A_280 : vector<4096x128xf32>
    %jit3A_294 = arith.constant 2.200000e+01 : f32
    %broadcast_in_dim3A_295 = vector.broadcast %jit3A_294 : f32 to vector<4096x128xf32>
    %select_n3A_296 = arith.select %lt3A_292, %broadcast_in_dim3A_295, %select_n3A_283 : vector<4096x128xi1>, vector<4096x128xf32>
    %get3A_297 = arith.constant 0 : index
    %get3A_298 = arith.constant 2944 : index
    %get3A_299 = vector.load %arg3[%get3A_297, %get3A_298] : memref<1x8192xf32, #tpu.memory_space<vmem>>, vector<1x128xf32>
    %add3A_300 = vector.broadcast %broadcast_in_dim3A : vector<4096x1xf32> to vector<4096x128xf32>
    %add3A_301 = vector.broadcast %get3A_299 : vector<1x128xf32> to vector<4096x128xf32>
    %add3A_302 = arith.addf %add3A_300, %add3A_301 : vector<4096x128xf32>
    %slice3A_303 = vector.extract_strided_slice %dot_general3A_6 {offsets = [0, 2944], sizes = [4096, 128], strides = [1, 1]} : vector<4096x8192xf32> to vector<4096x128xf32>
    %sub3A_304 = arith.subf %add3A_302, %slice3A_303 : vector<4096x128xf32>
    %lt3A_305 = arith.cmpf olt, %sub3A_304, %min3A_293 : vector<4096x128xf32>
    %min3A_306 = arith.minimumf %sub3A_304, %min3A_293 : vector<4096x128xf32>
    %jit3A_307 = arith.constant 2.300000e+01 : f32
    %broadcast_in_dim3A_308 = vector.broadcast %jit3A_307 : f32 to vector<4096x128xf32>
    %select_n3A_309 = arith.select %lt3A_305, %broadcast_in_dim3A_308, %select_n3A_296 : vector<4096x128xi1>, vector<4096x128xf32>
    %get3A_310 = arith.constant 0 : index
    %get3A_311 = arith.constant 3072 : index
    %get3A_312 = vector.load %arg3[%get3A_310, %get3A_311] : memref<1x8192xf32, #tpu.memory_space<vmem>>, vector<1x128xf32>
    %add3A_313 = vector.broadcast %broadcast_in_dim3A : vector<4096x1xf32> to vector<4096x128xf32>
    %add3A_314 = vector.broadcast %get3A_312 : vector<1x128xf32> to vector<4096x128xf32>
    %add3A_315 = arith.addf %add3A_313, %add3A_314 : vector<4096x128xf32>
    %slice3A_316 = vector.extract_strided_slice %dot_general3A_6 {offsets = [0, 3072], sizes = [4096, 128], strides = [1, 1]} : vector<4096x8192xf32> to vector<4096x128xf32>
    %sub3A_317 = arith.subf %add3A_315, %slice3A_316 : vector<4096x128xf32>
    %lt3A_318 = arith.cmpf olt, %sub3A_317, %min3A_306 : vector<4096x128xf32>
    %min3A_319 = arith.minimumf %sub3A_317, %min3A_306 : vector<4096x128xf32>
    %jit3A_320 = arith.constant 2.400000e+01 : f32
    %broadcast_in_dim3A_321 = vector.broadcast %jit3A_320 : f32 to vector<4096x128xf32>
    %select_n3A_322 = arith.select %lt3A_318, %broadcast_in_dim3A_321, %select_n3A_309 : vector<4096x128xi1>, vector<4096x128xf32>
    %get3A_323 = arith.constant 0 : index
    %get3A_324 = arith.constant 3200 : index
    %get3A_325 = vector.load %arg3[%get3A_323, %get3A_324] : memref<1x8192xf32, #tpu.memory_space<vmem>>, vector<1x128xf32>
    %add3A_326 = vector.broadcast %broadcast_in_dim3A : vector<4096x1xf32> to vector<4096x128xf32>
    %add3A_327 = vector.broadcast %get3A_325 : vector<1x128xf32> to vector<4096x128xf32>
    %add3A_328 = arith.addf %add3A_326, %add3A_327 : vector<4096x128xf32>
    %slice3A_329 = vector.extract_strided_slice %dot_general3A_6 {offsets = [0, 3200], sizes = [4096, 128], strides = [1, 1]} : vector<4096x8192xf32> to vector<4096x128xf32>
    %sub3A_330 = arith.subf %add3A_328, %slice3A_329 : vector<4096x128xf32>
    %lt3A_331 = arith.cmpf olt, %sub3A_330, %min3A_319 : vector<4096x128xf32>
    %min3A_332 = arith.minimumf %sub3A_330, %min3A_319 : vector<4096x128xf32>
    %jit3A_333 = arith.constant 2.500000e+01 : f32
    %broadcast_in_dim3A_334 = vector.broadcast %jit3A_333 : f32 to vector<4096x128xf32>
    %select_n3A_335 = arith.select %lt3A_331, %broadcast_in_dim3A_334, %select_n3A_322 : vector<4096x128xi1>, vector<4096x128xf32>
    %get3A_336 = arith.constant 0 : index
    %get3A_337 = arith.constant 3328 : index
    %get3A_338 = vector.load %arg3[%get3A_336, %get3A_337] : memref<1x8192xf32, #tpu.memory_space<vmem>>, vector<1x128xf32>
    %add3A_339 = vector.broadcast %broadcast_in_dim3A : vector<4096x1xf32> to vector<4096x128xf32>
    %add3A_340 = vector.broadcast %get3A_338 : vector<1x128xf32> to vector<4096x128xf32>
    %add3A_341 = arith.addf %add3A_339, %add3A_340 : vector<4096x128xf32>
    %slice3A_342 = vector.extract_strided_slice %dot_general3A_6 {offsets = [0, 3328], sizes = [4096, 128], strides = [1, 1]} : vector<4096x8192xf32> to vector<4096x128xf32>
    %sub3A_343 = arith.subf %add3A_341, %slice3A_342 : vector<4096x128xf32>
    %lt3A_344 = arith.cmpf olt, %sub3A_343, %min3A_332 : vector<4096x128xf32>
    %min3A_345 = arith.minimumf %sub3A_343, %min3A_332 : vector<4096x128xf32>
    %jit3A_346 = arith.constant 2.600000e+01 : f32
    %broadcast_in_dim3A_347 = vector.broadcast %jit3A_346 : f32 to vector<4096x128xf32>
    %select_n3A_348 = arith.select %lt3A_344, %broadcast_in_dim3A_347, %select_n3A_335 : vector<4096x128xi1>, vector<4096x128xf32>
    %get3A_349 = arith.constant 0 : index
    %get3A_350 = arith.constant 3456 : index
    %get3A_351 = vector.load %arg3[%get3A_349, %get3A_350] : memref<1x8192xf32, #tpu.memory_space<vmem>>, vector<1x128xf32>
    %add3A_352 = vector.broadcast %broadcast_in_dim3A : vector<4096x1xf32> to vector<4096x128xf32>
    %add3A_353 = vector.broadcast %get3A_351 : vector<1x128xf32> to vector<4096x128xf32>
    %add3A_354 = arith.addf %add3A_352, %add3A_353 : vector<4096x128xf32>
    %slice3A_355 = vector.extract_strided_slice %dot_general3A_6 {offsets = [0, 3456], sizes = [4096, 128], strides = [1, 1]} : vector<4096x8192xf32> to vector<4096x128xf32>
    %sub3A_356 = arith.subf %add3A_354, %slice3A_355 : vector<4096x128xf32>
    %lt3A_357 = arith.cmpf olt, %sub3A_356, %min3A_345 : vector<4096x128xf32>
    %min3A_358 = arith.minimumf %sub3A_356, %min3A_345 : vector<4096x128xf32>
    %jit3A_359 = arith.constant 2.700000e+01 : f32
    %broadcast_in_dim3A_360 = vector.broadcast %jit3A_359 : f32 to vector<4096x128xf32>
    %select_n3A_361 = arith.select %lt3A_357, %broadcast_in_dim3A_360, %select_n3A_348 : vector<4096x128xi1>, vector<4096x128xf32>
    %get3A_362 = arith.constant 0 : index
    %get3A_363 = arith.constant 3584 : index
    %get3A_364 = vector.load %arg3[%get3A_362, %get3A_363] : memref<1x8192xf32, #tpu.memory_space<vmem>>, vector<1x128xf32>
    %add3A_365 = vector.broadcast %broadcast_in_dim3A : vector<4096x1xf32> to vector<4096x128xf32>
    %add3A_366 = vector.broadcast %get3A_364 : vector<1x128xf32> to vector<4096x128xf32>
    %add3A_367 = arith.addf %add3A_365, %add3A_366 : vector<4096x128xf32>
    %slice3A_368 = vector.extract_strided_slice %dot_general3A_6 {offsets = [0, 3584], sizes = [4096, 128], strides = [1, 1]} : vector<4096x8192xf32> to vector<4096x128xf32>
    %sub3A_369 = arith.subf %add3A_367, %slice3A_368 : vector<4096x128xf32>
    %lt3A_370 = arith.cmpf olt, %sub3A_369, %min3A_358 : vector<4096x128xf32>
    %min3A_371 = arith.minimumf %sub3A_369, %min3A_358 : vector<4096x128xf32>
    %jit3A_372 = arith.constant 2.800000e+01 : f32
    %broadcast_in_dim3A_373 = vector.broadcast %jit3A_372 : f32 to vector<4096x128xf32>
    %select_n3A_374 = arith.select %lt3A_370, %broadcast_in_dim3A_373, %select_n3A_361 : vector<4096x128xi1>, vector<4096x128xf32>
    %get3A_375 = arith.constant 0 : index
    %get3A_376 = arith.constant 3712 : index
    %get3A_377 = vector.load %arg3[%get3A_375, %get3A_376] : memref<1x8192xf32, #tpu.memory_space<vmem>>, vector<1x128xf32>
    %add3A_378 = vector.broadcast %broadcast_in_dim3A : vector<4096x1xf32> to vector<4096x128xf32>
    %add3A_379 = vector.broadcast %get3A_377 : vector<1x128xf32> to vector<4096x128xf32>
    %add3A_380 = arith.addf %add3A_378, %add3A_379 : vector<4096x128xf32>
    %slice3A_381 = vector.extract_strided_slice %dot_general3A_6 {offsets = [0, 3712], sizes = [4096, 128], strides = [1, 1]} : vector<4096x8192xf32> to vector<4096x128xf32>
    %sub3A_382 = arith.subf %add3A_380, %slice3A_381 : vector<4096x128xf32>
    %lt3A_383 = arith.cmpf olt, %sub3A_382, %min3A_371 : vector<4096x128xf32>
    %min3A_384 = arith.minimumf %sub3A_382, %min3A_371 : vector<4096x128xf32>
    %jit3A_385 = arith.constant 2.900000e+01 : f32
    %broadcast_in_dim3A_386 = vector.broadcast %jit3A_385 : f32 to vector<4096x128xf32>
    %select_n3A_387 = arith.select %lt3A_383, %broadcast_in_dim3A_386, %select_n3A_374 : vector<4096x128xi1>, vector<4096x128xf32>
    %get3A_388 = arith.constant 0 : index
    %get3A_389 = arith.constant 3840 : index
    %get3A_390 = vector.load %arg3[%get3A_388, %get3A_389] : memref<1x8192xf32, #tpu.memory_space<vmem>>, vector<1x128xf32>
    %add3A_391 = vector.broadcast %broadcast_in_dim3A : vector<4096x1xf32> to vector<4096x128xf32>
    %add3A_392 = vector.broadcast %get3A_390 : vector<1x128xf32> to vector<4096x128xf32>
    %add3A_393 = arith.addf %add3A_391, %add3A_392 : vector<4096x128xf32>
    %slice3A_394 = vector.extract_strided_slice %dot_general3A_6 {offsets = [0, 3840], sizes = [4096, 128], strides = [1, 1]} : vector<4096x8192xf32> to vector<4096x128xf32>
    %sub3A_395 = arith.subf %add3A_393, %slice3A_394 : vector<4096x128xf32>
    %lt3A_396 = arith.cmpf olt, %sub3A_395, %min3A_384 : vector<4096x128xf32>
    %min3A_397 = arith.minimumf %sub3A_395, %min3A_384 : vector<4096x128xf32>
    %jit3A_398 = arith.constant 3.000000e+01 : f32
    %broadcast_in_dim3A_399 = vector.broadcast %jit3A_398 : f32 to vector<4096x128xf32>
    %select_n3A_400 = arith.select %lt3A_396, %broadcast_in_dim3A_399, %select_n3A_387 : vector<4096x128xi1>, vector<4096x128xf32>
    %get3A_401 = arith.constant 0 : index
    %get3A_402 = arith.constant 3968 : index
    %get3A_403 = vector.load %arg3[%get3A_401, %get3A_402] : memref<1x8192xf32, #tpu.memory_space<vmem>>, vector<1x128xf32>
    %add3A_404 = vector.broadcast %broadcast_in_dim3A : vector<4096x1xf32> to vector<4096x128xf32>
    %add3A_405 = vector.broadcast %get3A_403 : vector<1x128xf32> to vector<4096x128xf32>
    %add3A_406 = arith.addf %add3A_404, %add3A_405 : vector<4096x128xf32>
    %slice3A_407 = vector.extract_strided_slice %dot_general3A_6 {offsets = [0, 3968], sizes = [4096, 128], strides = [1, 1]} : vector<4096x8192xf32> to vector<4096x128xf32>
    %sub3A_408 = arith.subf %add3A_406, %slice3A_407 : vector<4096x128xf32>
    %lt3A_409 = arith.cmpf olt, %sub3A_408, %min3A_397 : vector<4096x128xf32>
    %min3A_410 = arith.minimumf %sub3A_408, %min3A_397 : vector<4096x128xf32>
    %jit3A_411 = arith.constant 3.100000e+01 : f32
    %broadcast_in_dim3A_412 = vector.broadcast %jit3A_411 : f32 to vector<4096x128xf32>
    %select_n3A_413 = arith.select %lt3A_409, %broadcast_in_dim3A_412, %select_n3A_400 : vector<4096x128xi1>, vector<4096x128xf32>
    %get3A_414 = arith.constant 0 : index
    %get3A_415 = arith.constant 4096 : index
    %get3A_416 = vector.load %arg3[%get3A_414, %get3A_415] : memref<1x8192xf32, #tpu.memory_space<vmem>>, vector<1x128xf32>
    %add3A_417 = vector.broadcast %broadcast_in_dim3A : vector<4096x1xf32> to vector<4096x128xf32>
    %add3A_418 = vector.broadcast %get3A_416 : vector<1x128xf32> to vector<4096x128xf32>
    %add3A_419 = arith.addf %add3A_417, %add3A_418 : vector<4096x128xf32>
    %slice3A_420 = vector.extract_strided_slice %dot_general3A_6 {offsets = [0, 4096], sizes = [4096, 128], strides = [1, 1]} : vector<4096x8192xf32> to vector<4096x128xf32>
    %sub3A_421 = arith.subf %add3A_419, %slice3A_420 : vector<4096x128xf32>
    %lt3A_422 = arith.cmpf olt, %sub3A_421, %min3A_410 : vector<4096x128xf32>
    %min3A_423 = arith.minimumf %sub3A_421, %min3A_410 : vector<4096x128xf32>
    %jit3A_424 = arith.constant 3.200000e+01 : f32
    %broadcast_in_dim3A_425 = vector.broadcast %jit3A_424 : f32 to vector<4096x128xf32>
    %select_n3A_426 = arith.select %lt3A_422, %broadcast_in_dim3A_425, %select_n3A_413 : vector<4096x128xi1>, vector<4096x128xf32>
    %get3A_427 = arith.constant 0 : index
    %get3A_428 = arith.constant 4224 : index
    %get3A_429 = vector.load %arg3[%get3A_427, %get3A_428] : memref<1x8192xf32, #tpu.memory_space<vmem>>, vector<1x128xf32>
    %add3A_430 = vector.broadcast %broadcast_in_dim3A : vector<4096x1xf32> to vector<4096x128xf32>
    %add3A_431 = vector.broadcast %get3A_429 : vector<1x128xf32> to vector<4096x128xf32>
    %add3A_432 = arith.addf %add3A_430, %add3A_431 : vector<4096x128xf32>
    %slice3A_433 = vector.extract_strided_slice %dot_general3A_6 {offsets = [0, 4224], sizes = [4096, 128], strides = [1, 1]} : vector<4096x8192xf32> to vector<4096x128xf32>
    %sub3A_434 = arith.subf %add3A_432, %slice3A_433 : vector<4096x128xf32>
    %lt3A_435 = arith.cmpf olt, %sub3A_434, %min3A_423 : vector<4096x128xf32>
    %min3A_436 = arith.minimumf %sub3A_434, %min3A_423 : vector<4096x128xf32>
    %jit3A_437 = arith.constant 3.300000e+01 : f32
    %broadcast_in_dim3A_438 = vector.broadcast %jit3A_437 : f32 to vector<4096x128xf32>
    %select_n3A_439 = arith.select %lt3A_435, %broadcast_in_dim3A_438, %select_n3A_426 : vector<4096x128xi1>, vector<4096x128xf32>
    %get3A_440 = arith.constant 0 : index
    %get3A_441 = arith.constant 4352 : index
    %get3A_442 = vector.load %arg3[%get3A_440, %get3A_441] : memref<1x8192xf32, #tpu.memory_space<vmem>>, vector<1x128xf32>
    %add3A_443 = vector.broadcast %broadcast_in_dim3A : vector<4096x1xf32> to vector<4096x128xf32>
    %add3A_444 = vector.broadcast %get3A_442 : vector<1x128xf32> to vector<4096x128xf32>
    %add3A_445 = arith.addf %add3A_443, %add3A_444 : vector<4096x128xf32>
    %slice3A_446 = vector.extract_strided_slice %dot_general3A_6 {offsets = [0, 4352], sizes = [4096, 128], strides = [1, 1]} : vector<4096x8192xf32> to vector<4096x128xf32>
    %sub3A_447 = arith.subf %add3A_445, %slice3A_446 : vector<4096x128xf32>
    %lt3A_448 = arith.cmpf olt, %sub3A_447, %min3A_436 : vector<4096x128xf32>
    %min3A_449 = arith.minimumf %sub3A_447, %min3A_436 : vector<4096x128xf32>
    %jit3A_450 = arith.constant 3.400000e+01 : f32
    %broadcast_in_dim3A_451 = vector.broadcast %jit3A_450 : f32 to vector<4096x128xf32>
    %select_n3A_452 = arith.select %lt3A_448, %broadcast_in_dim3A_451, %select_n3A_439 : vector<4096x128xi1>, vector<4096x128xf32>
    %get3A_453 = arith.constant 0 : index
    %get3A_454 = arith.constant 4480 : index
    %get3A_455 = vector.load %arg3[%get3A_453, %get3A_454] : memref<1x8192xf32, #tpu.memory_space<vmem>>, vector<1x128xf32>
    %add3A_456 = vector.broadcast %broadcast_in_dim3A : vector<4096x1xf32> to vector<4096x128xf32>
    %add3A_457 = vector.broadcast %get3A_455 : vector<1x128xf32> to vector<4096x128xf32>
    %add3A_458 = arith.addf %add3A_456, %add3A_457 : vector<4096x128xf32>
    %slice3A_459 = vector.extract_strided_slice %dot_general3A_6 {offsets = [0, 4480], sizes = [4096, 128], strides = [1, 1]} : vector<4096x8192xf32> to vector<4096x128xf32>
    %sub3A_460 = arith.subf %add3A_458, %slice3A_459 : vector<4096x128xf32>
    %lt3A_461 = arith.cmpf olt, %sub3A_460, %min3A_449 : vector<4096x128xf32>
    %min3A_462 = arith.minimumf %sub3A_460, %min3A_449 : vector<4096x128xf32>
    %jit3A_463 = arith.constant 3.500000e+01 : f32
    %broadcast_in_dim3A_464 = vector.broadcast %jit3A_463 : f32 to vector<4096x128xf32>
    %select_n3A_465 = arith.select %lt3A_461, %broadcast_in_dim3A_464, %select_n3A_452 : vector<4096x128xi1>, vector<4096x128xf32>
    %get3A_466 = arith.constant 0 : index
    %get3A_467 = arith.constant 4608 : index
    %get3A_468 = vector.load %arg3[%get3A_466, %get3A_467] : memref<1x8192xf32, #tpu.memory_space<vmem>>, vector<1x128xf32>
    %add3A_469 = vector.broadcast %broadcast_in_dim3A : vector<4096x1xf32> to vector<4096x128xf32>
    %add3A_470 = vector.broadcast %get3A_468 : vector<1x128xf32> to vector<4096x128xf32>
    %add3A_471 = arith.addf %add3A_469, %add3A_470 : vector<4096x128xf32>
    %slice3A_472 = vector.extract_strided_slice %dot_general3A_6 {offsets = [0, 4608], sizes = [4096, 128], strides = [1, 1]} : vector<4096x8192xf32> to vector<4096x128xf32>
    %sub3A_473 = arith.subf %add3A_471, %slice3A_472 : vector<4096x128xf32>
    %lt3A_474 = arith.cmpf olt, %sub3A_473, %min3A_462 : vector<4096x128xf32>
    %min3A_475 = arith.minimumf %sub3A_473, %min3A_462 : vector<4096x128xf32>
    %jit3A_476 = arith.constant 3.600000e+01 : f32
    %broadcast_in_dim3A_477 = vector.broadcast %jit3A_476 : f32 to vector<4096x128xf32>
    %select_n3A_478 = arith.select %lt3A_474, %broadcast_in_dim3A_477, %select_n3A_465 : vector<4096x128xi1>, vector<4096x128xf32>
    %get3A_479 = arith.constant 0 : index
    %get3A_480 = arith.constant 4736 : index
    %get3A_481 = vector.load %arg3[%get3A_479, %get3A_480] : memref<1x8192xf32, #tpu.memory_space<vmem>>, vector<1x128xf32>
    %add3A_482 = vector.broadcast %broadcast_in_dim3A : vector<4096x1xf32> to vector<4096x128xf32>
    %add3A_483 = vector.broadcast %get3A_481 : vector<1x128xf32> to vector<4096x128xf32>
    %add3A_484 = arith.addf %add3A_482, %add3A_483 : vector<4096x128xf32>
    %slice3A_485 = vector.extract_strided_slice %dot_general3A_6 {offsets = [0, 4736], sizes = [4096, 128], strides = [1, 1]} : vector<4096x8192xf32> to vector<4096x128xf32>
    %sub3A_486 = arith.subf %add3A_484, %slice3A_485 : vector<4096x128xf32>
    %lt3A_487 = arith.cmpf olt, %sub3A_486, %min3A_475 : vector<4096x128xf32>
    %min3A_488 = arith.minimumf %sub3A_486, %min3A_475 : vector<4096x128xf32>
    %jit3A_489 = arith.constant 3.700000e+01 : f32
    %broadcast_in_dim3A_490 = vector.broadcast %jit3A_489 : f32 to vector<4096x128xf32>
    %select_n3A_491 = arith.select %lt3A_487, %broadcast_in_dim3A_490, %select_n3A_478 : vector<4096x128xi1>, vector<4096x128xf32>
    %get3A_492 = arith.constant 0 : index
    %get3A_493 = arith.constant 4864 : index
    %get3A_494 = vector.load %arg3[%get3A_492, %get3A_493] : memref<1x8192xf32, #tpu.memory_space<vmem>>, vector<1x128xf32>
    %add3A_495 = vector.broadcast %broadcast_in_dim3A : vector<4096x1xf32> to vector<4096x128xf32>
    %add3A_496 = vector.broadcast %get3A_494 : vector<1x128xf32> to vector<4096x128xf32>
    %add3A_497 = arith.addf %add3A_495, %add3A_496 : vector<4096x128xf32>
    %slice3A_498 = vector.extract_strided_slice %dot_general3A_6 {offsets = [0, 4864], sizes = [4096, 128], strides = [1, 1]} : vector<4096x8192xf32> to vector<4096x128xf32>
    %sub3A_499 = arith.subf %add3A_497, %slice3A_498 : vector<4096x128xf32>
    %lt3A_500 = arith.cmpf olt, %sub3A_499, %min3A_488 : vector<4096x128xf32>
    %min3A_501 = arith.minimumf %sub3A_499, %min3A_488 : vector<4096x128xf32>
    %jit3A_502 = arith.constant 3.800000e+01 : f32
    %broadcast_in_dim3A_503 = vector.broadcast %jit3A_502 : f32 to vector<4096x128xf32>
    %select_n3A_504 = arith.select %lt3A_500, %broadcast_in_dim3A_503, %select_n3A_491 : vector<4096x128xi1>, vector<4096x128xf32>
    %get3A_505 = arith.constant 0 : index
    %get3A_506 = arith.constant 4992 : index
    %get3A_507 = vector.load %arg3[%get3A_505, %get3A_506] : memref<1x8192xf32, #tpu.memory_space<vmem>>, vector<1x128xf32>
    %add3A_508 = vector.broadcast %broadcast_in_dim3A : vector<4096x1xf32> to vector<4096x128xf32>
    %add3A_509 = vector.broadcast %get3A_507 : vector<1x128xf32> to vector<4096x128xf32>
    %add3A_510 = arith.addf %add3A_508, %add3A_509 : vector<4096x128xf32>
    %slice3A_511 = vector.extract_strided_slice %dot_general3A_6 {offsets = [0, 4992], sizes = [4096, 128], strides = [1, 1]} : vector<4096x8192xf32> to vector<4096x128xf32>
    %sub3A_512 = arith.subf %add3A_510, %slice3A_511 : vector<4096x128xf32>
    %lt3A_513 = arith.cmpf olt, %sub3A_512, %min3A_501 : vector<4096x128xf32>
    %min3A_514 = arith.minimumf %sub3A_512, %min3A_501 : vector<4096x128xf32>
    %jit3A_515 = arith.constant 3.900000e+01 : f32
    %broadcast_in_dim3A_516 = vector.broadcast %jit3A_515 : f32 to vector<4096x128xf32>
    %select_n3A_517 = arith.select %lt3A_513, %broadcast_in_dim3A_516, %select_n3A_504 : vector<4096x128xi1>, vector<4096x128xf32>
    %get3A_518 = arith.constant 0 : index
    %get3A_519 = arith.constant 5120 : index
    %get3A_520 = vector.load %arg3[%get3A_518, %get3A_519] : memref<1x8192xf32, #tpu.memory_space<vmem>>, vector<1x128xf32>
    %add3A_521 = vector.broadcast %broadcast_in_dim3A : vector<4096x1xf32> to vector<4096x128xf32>
    %add3A_522 = vector.broadcast %get3A_520 : vector<1x128xf32> to vector<4096x128xf32>
    %add3A_523 = arith.addf %add3A_521, %add3A_522 : vector<4096x128xf32>
    %slice3A_524 = vector.extract_strided_slice %dot_general3A_6 {offsets = [0, 5120], sizes = [4096, 128], strides = [1, 1]} : vector<4096x8192xf32> to vector<4096x128xf32>
    %sub3A_525 = arith.subf %add3A_523, %slice3A_524 : vector<4096x128xf32>
    %lt3A_526 = arith.cmpf olt, %sub3A_525, %min3A_514 : vector<4096x128xf32>
    %min3A_527 = arith.minimumf %sub3A_525, %min3A_514 : vector<4096x128xf32>
    %jit3A_528 = arith.constant 4.000000e+01 : f32
    %broadcast_in_dim3A_529 = vector.broadcast %jit3A_528 : f32 to vector<4096x128xf32>
    %select_n3A_530 = arith.select %lt3A_526, %broadcast_in_dim3A_529, %select_n3A_517 : vector<4096x128xi1>, vector<4096x128xf32>
    %get3A_531 = arith.constant 0 : index
    %get3A_532 = arith.constant 5248 : index
    %get3A_533 = vector.load %arg3[%get3A_531, %get3A_532] : memref<1x8192xf32, #tpu.memory_space<vmem>>, vector<1x128xf32>
    %add3A_534 = vector.broadcast %broadcast_in_dim3A : vector<4096x1xf32> to vector<4096x128xf32>
    %add3A_535 = vector.broadcast %get3A_533 : vector<1x128xf32> to vector<4096x128xf32>
    %add3A_536 = arith.addf %add3A_534, %add3A_535 : vector<4096x128xf32>
    %slice3A_537 = vector.extract_strided_slice %dot_general3A_6 {offsets = [0, 5248], sizes = [4096, 128], strides = [1, 1]} : vector<4096x8192xf32> to vector<4096x128xf32>
    %sub3A_538 = arith.subf %add3A_536, %slice3A_537 : vector<4096x128xf32>
    %lt3A_539 = arith.cmpf olt, %sub3A_538, %min3A_527 : vector<4096x128xf32>
    %min3A_540 = arith.minimumf %sub3A_538, %min3A_527 : vector<4096x128xf32>
    %jit3A_541 = arith.constant 4.100000e+01 : f32
    %broadcast_in_dim3A_542 = vector.broadcast %jit3A_541 : f32 to vector<4096x128xf32>
    %select_n3A_543 = arith.select %lt3A_539, %broadcast_in_dim3A_542, %select_n3A_530 : vector<4096x128xi1>, vector<4096x128xf32>
    %get3A_544 = arith.constant 0 : index
    %get3A_545 = arith.constant 5376 : index
    %get3A_546 = vector.load %arg3[%get3A_544, %get3A_545] : memref<1x8192xf32, #tpu.memory_space<vmem>>, vector<1x128xf32>
    %add3A_547 = vector.broadcast %broadcast_in_dim3A : vector<4096x1xf32> to vector<4096x128xf32>
    %add3A_548 = vector.broadcast %get3A_546 : vector<1x128xf32> to vector<4096x128xf32>
    %add3A_549 = arith.addf %add3A_547, %add3A_548 : vector<4096x128xf32>
    %slice3A_550 = vector.extract_strided_slice %dot_general3A_6 {offsets = [0, 5376], sizes = [4096, 128], strides = [1, 1]} : vector<4096x8192xf32> to vector<4096x128xf32>
    %sub3A_551 = arith.subf %add3A_549, %slice3A_550 : vector<4096x128xf32>
    %lt3A_552 = arith.cmpf olt, %sub3A_551, %min3A_540 : vector<4096x128xf32>
    %min3A_553 = arith.minimumf %sub3A_551, %min3A_540 : vector<4096x128xf32>
    %jit3A_554 = arith.constant 4.200000e+01 : f32
    %broadcast_in_dim3A_555 = vector.broadcast %jit3A_554 : f32 to vector<4096x128xf32>
    %select_n3A_556 = arith.select %lt3A_552, %broadcast_in_dim3A_555, %select_n3A_543 : vector<4096x128xi1>, vector<4096x128xf32>
    %get3A_557 = arith.constant 0 : index
    %get3A_558 = arith.constant 5504 : index
    %get3A_559 = vector.load %arg3[%get3A_557, %get3A_558] : memref<1x8192xf32, #tpu.memory_space<vmem>>, vector<1x128xf32>
    %add3A_560 = vector.broadcast %broadcast_in_dim3A : vector<4096x1xf32> to vector<4096x128xf32>
    %add3A_561 = vector.broadcast %get3A_559 : vector<1x128xf32> to vector<4096x128xf32>
    %add3A_562 = arith.addf %add3A_560, %add3A_561 : vector<4096x128xf32>
    %slice3A_563 = vector.extract_strided_slice %dot_general3A_6 {offsets = [0, 5504], sizes = [4096, 128], strides = [1, 1]} : vector<4096x8192xf32> to vector<4096x128xf32>
    %sub3A_564 = arith.subf %add3A_562, %slice3A_563 : vector<4096x128xf32>
    %lt3A_565 = arith.cmpf olt, %sub3A_564, %min3A_553 : vector<4096x128xf32>
    %min3A_566 = arith.minimumf %sub3A_564, %min3A_553 : vector<4096x128xf32>
    %jit3A_567 = arith.constant 4.300000e+01 : f32
    %broadcast_in_dim3A_568 = vector.broadcast %jit3A_567 : f32 to vector<4096x128xf32>
    %select_n3A_569 = arith.select %lt3A_565, %broadcast_in_dim3A_568, %select_n3A_556 : vector<4096x128xi1>, vector<4096x128xf32>
    %get3A_570 = arith.constant 0 : index
    %get3A_571 = arith.constant 5632 : index
    %get3A_572 = vector.load %arg3[%get3A_570, %get3A_571] : memref<1x8192xf32, #tpu.memory_space<vmem>>, vector<1x128xf32>
    %add3A_573 = vector.broadcast %broadcast_in_dim3A : vector<4096x1xf32> to vector<4096x128xf32>
    %add3A_574 = vector.broadcast %get3A_572 : vector<1x128xf32> to vector<4096x128xf32>
    %add3A_575 = arith.addf %add3A_573, %add3A_574 : vector<4096x128xf32>
    %slice3A_576 = vector.extract_strided_slice %dot_general3A_6 {offsets = [0, 5632], sizes = [4096, 128], strides = [1, 1]} : vector<4096x8192xf32> to vector<4096x128xf32>
    %sub3A_577 = arith.subf %add3A_575, %slice3A_576 : vector<4096x128xf32>
    %lt3A_578 = arith.cmpf olt, %sub3A_577, %min3A_566 : vector<4096x128xf32>
    %min3A_579 = arith.minimumf %sub3A_577, %min3A_566 : vector<4096x128xf32>
    %jit3A_580 = arith.constant 4.400000e+01 : f32
    %broadcast_in_dim3A_581 = vector.broadcast %jit3A_580 : f32 to vector<4096x128xf32>
    %select_n3A_582 = arith.select %lt3A_578, %broadcast_in_dim3A_581, %select_n3A_569 : vector<4096x128xi1>, vector<4096x128xf32>
    %get3A_583 = arith.constant 0 : index
    %get3A_584 = arith.constant 5760 : index
    %get3A_585 = vector.load %arg3[%get3A_583, %get3A_584] : memref<1x8192xf32, #tpu.memory_space<vmem>>, vector<1x128xf32>
    %add3A_586 = vector.broadcast %broadcast_in_dim3A : vector<4096x1xf32> to vector<4096x128xf32>
    %add3A_587 = vector.broadcast %get3A_585 : vector<1x128xf32> to vector<4096x128xf32>
    %add3A_588 = arith.addf %add3A_586, %add3A_587 : vector<4096x128xf32>
    %slice3A_589 = vector.extract_strided_slice %dot_general3A_6 {offsets = [0, 5760], sizes = [4096, 128], strides = [1, 1]} : vector<4096x8192xf32> to vector<4096x128xf32>
    %sub3A_590 = arith.subf %add3A_588, %slice3A_589 : vector<4096x128xf32>
    %lt3A_591 = arith.cmpf olt, %sub3A_590, %min3A_579 : vector<4096x128xf32>
    %min3A_592 = arith.minimumf %sub3A_590, %min3A_579 : vector<4096x128xf32>
    %jit3A_593 = arith.constant 4.500000e+01 : f32
    %broadcast_in_dim3A_594 = vector.broadcast %jit3A_593 : f32 to vector<4096x128xf32>
    %select_n3A_595 = arith.select %lt3A_591, %broadcast_in_dim3A_594, %select_n3A_582 : vector<4096x128xi1>, vector<4096x128xf32>
    %get3A_596 = arith.constant 0 : index
    %get3A_597 = arith.constant 5888 : index
    %get3A_598 = vector.load %arg3[%get3A_596, %get3A_597] : memref<1x8192xf32, #tpu.memory_space<vmem>>, vector<1x128xf32>
    %add3A_599 = vector.broadcast %broadcast_in_dim3A : vector<4096x1xf32> to vector<4096x128xf32>
    %add3A_600 = vector.broadcast %get3A_598 : vector<1x128xf32> to vector<4096x128xf32>
    %add3A_601 = arith.addf %add3A_599, %add3A_600 : vector<4096x128xf32>
    %slice3A_602 = vector.extract_strided_slice %dot_general3A_6 {offsets = [0, 5888], sizes = [4096, 128], strides = [1, 1]} : vector<4096x8192xf32> to vector<4096x128xf32>
    %sub3A_603 = arith.subf %add3A_601, %slice3A_602 : vector<4096x128xf32>
    %lt3A_604 = arith.cmpf olt, %sub3A_603, %min3A_592 : vector<4096x128xf32>
    %min3A_605 = arith.minimumf %sub3A_603, %min3A_592 : vector<4096x128xf32>
    %jit3A_606 = arith.constant 4.600000e+01 : f32
    %broadcast_in_dim3A_607 = vector.broadcast %jit3A_606 : f32 to vector<4096x128xf32>
    %select_n3A_608 = arith.select %lt3A_604, %broadcast_in_dim3A_607, %select_n3A_595 : vector<4096x128xi1>, vector<4096x128xf32>
    %get3A_609 = arith.constant 0 : index
    %get3A_610 = arith.constant 6016 : index
    %get3A_611 = vector.load %arg3[%get3A_609, %get3A_610] : memref<1x8192xf32, #tpu.memory_space<vmem>>, vector<1x128xf32>
    %add3A_612 = vector.broadcast %broadcast_in_dim3A : vector<4096x1xf32> to vector<4096x128xf32>
    %add3A_613 = vector.broadcast %get3A_611 : vector<1x128xf32> to vector<4096x128xf32>
    %add3A_614 = arith.addf %add3A_612, %add3A_613 : vector<4096x128xf32>
    %slice3A_615 = vector.extract_strided_slice %dot_general3A_6 {offsets = [0, 6016], sizes = [4096, 128], strides = [1, 1]} : vector<4096x8192xf32> to vector<4096x128xf32>
    %sub3A_616 = arith.subf %add3A_614, %slice3A_615 : vector<4096x128xf32>
    %lt3A_617 = arith.cmpf olt, %sub3A_616, %min3A_605 : vector<4096x128xf32>
    %min3A_618 = arith.minimumf %sub3A_616, %min3A_605 : vector<4096x128xf32>
    %jit3A_619 = arith.constant 4.700000e+01 : f32
    %broadcast_in_dim3A_620 = vector.broadcast %jit3A_619 : f32 to vector<4096x128xf32>
    %select_n3A_621 = arith.select %lt3A_617, %broadcast_in_dim3A_620, %select_n3A_608 : vector<4096x128xi1>, vector<4096x128xf32>
    %get3A_622 = arith.constant 0 : index
    %get3A_623 = arith.constant 6144 : index
    %get3A_624 = vector.load %arg3[%get3A_622, %get3A_623] : memref<1x8192xf32, #tpu.memory_space<vmem>>, vector<1x128xf32>
    %add3A_625 = vector.broadcast %broadcast_in_dim3A : vector<4096x1xf32> to vector<4096x128xf32>
    %add3A_626 = vector.broadcast %get3A_624 : vector<1x128xf32> to vector<4096x128xf32>
    %add3A_627 = arith.addf %add3A_625, %add3A_626 : vector<4096x128xf32>
    %slice3A_628 = vector.extract_strided_slice %dot_general3A_6 {offsets = [0, 6144], sizes = [4096, 128], strides = [1, 1]} : vector<4096x8192xf32> to vector<4096x128xf32>
    %sub3A_629 = arith.subf %add3A_627, %slice3A_628 : vector<4096x128xf32>
    %lt3A_630 = arith.cmpf olt, %sub3A_629, %min3A_618 : vector<4096x128xf32>
    %min3A_631 = arith.minimumf %sub3A_629, %min3A_618 : vector<4096x128xf32>
    %jit3A_632 = arith.constant 4.800000e+01 : f32
    %broadcast_in_dim3A_633 = vector.broadcast %jit3A_632 : f32 to vector<4096x128xf32>
    %select_n3A_634 = arith.select %lt3A_630, %broadcast_in_dim3A_633, %select_n3A_621 : vector<4096x128xi1>, vector<4096x128xf32>
    %get3A_635 = arith.constant 0 : index
    %get3A_636 = arith.constant 6272 : index
    %get3A_637 = vector.load %arg3[%get3A_635, %get3A_636] : memref<1x8192xf32, #tpu.memory_space<vmem>>, vector<1x128xf32>
    %add3A_638 = vector.broadcast %broadcast_in_dim3A : vector<4096x1xf32> to vector<4096x128xf32>
    %add3A_639 = vector.broadcast %get3A_637 : vector<1x128xf32> to vector<4096x128xf32>
    %add3A_640 = arith.addf %add3A_638, %add3A_639 : vector<4096x128xf32>
    %slice3A_641 = vector.extract_strided_slice %dot_general3A_6 {offsets = [0, 6272], sizes = [4096, 128], strides = [1, 1]} : vector<4096x8192xf32> to vector<4096x128xf32>
    %sub3A_642 = arith.subf %add3A_640, %slice3A_641 : vector<4096x128xf32>
    %lt3A_643 = arith.cmpf olt, %sub3A_642, %min3A_631 : vector<4096x128xf32>
    %min3A_644 = arith.minimumf %sub3A_642, %min3A_631 : vector<4096x128xf32>
    %jit3A_645 = arith.constant 4.900000e+01 : f32
    %broadcast_in_dim3A_646 = vector.broadcast %jit3A_645 : f32 to vector<4096x128xf32>
    %select_n3A_647 = arith.select %lt3A_643, %broadcast_in_dim3A_646, %select_n3A_634 : vector<4096x128xi1>, vector<4096x128xf32>
    %get3A_648 = arith.constant 0 : index
    %get3A_649 = arith.constant 6400 : index
    %get3A_650 = vector.load %arg3[%get3A_648, %get3A_649] : memref<1x8192xf32, #tpu.memory_space<vmem>>, vector<1x128xf32>
    %add3A_651 = vector.broadcast %broadcast_in_dim3A : vector<4096x1xf32> to vector<4096x128xf32>
    %add3A_652 = vector.broadcast %get3A_650 : vector<1x128xf32> to vector<4096x128xf32>
    %add3A_653 = arith.addf %add3A_651, %add3A_652 : vector<4096x128xf32>
    %slice3A_654 = vector.extract_strided_slice %dot_general3A_6 {offsets = [0, 6400], sizes = [4096, 128], strides = [1, 1]} : vector<4096x8192xf32> to vector<4096x128xf32>
    %sub3A_655 = arith.subf %add3A_653, %slice3A_654 : vector<4096x128xf32>
    %lt3A_656 = arith.cmpf olt, %sub3A_655, %min3A_644 : vector<4096x128xf32>
    %min3A_657 = arith.minimumf %sub3A_655, %min3A_644 : vector<4096x128xf32>
    %jit3A_658 = arith.constant 5.000000e+01 : f32
    %broadcast_in_dim3A_659 = vector.broadcast %jit3A_658 : f32 to vector<4096x128xf32>
    %select_n3A_660 = arith.select %lt3A_656, %broadcast_in_dim3A_659, %select_n3A_647 : vector<4096x128xi1>, vector<4096x128xf32>
    %get3A_661 = arith.constant 0 : index
    %get3A_662 = arith.constant 6528 : index
    %get3A_663 = vector.load %arg3[%get3A_661, %get3A_662] : memref<1x8192xf32, #tpu.memory_space<vmem>>, vector<1x128xf32>
    %add3A_664 = vector.broadcast %broadcast_in_dim3A : vector<4096x1xf32> to vector<4096x128xf32>
    %add3A_665 = vector.broadcast %get3A_663 : vector<1x128xf32> to vector<4096x128xf32>
    %add3A_666 = arith.addf %add3A_664, %add3A_665 : vector<4096x128xf32>
    %slice3A_667 = vector.extract_strided_slice %dot_general3A_6 {offsets = [0, 6528], sizes = [4096, 128], strides = [1, 1]} : vector<4096x8192xf32> to vector<4096x128xf32>
    %sub3A_668 = arith.subf %add3A_666, %slice3A_667 : vector<4096x128xf32>
    %lt3A_669 = arith.cmpf olt, %sub3A_668, %min3A_657 : vector<4096x128xf32>
    %min3A_670 = arith.minimumf %sub3A_668, %min3A_657 : vector<4096x128xf32>
    %jit3A_671 = arith.constant 5.100000e+01 : f32
    %broadcast_in_dim3A_672 = vector.broadcast %jit3A_671 : f32 to vector<4096x128xf32>
    %select_n3A_673 = arith.select %lt3A_669, %broadcast_in_dim3A_672, %select_n3A_660 : vector<4096x128xi1>, vector<4096x128xf32>
    %get3A_674 = arith.constant 0 : index
    %get3A_675 = arith.constant 6656 : index
    %get3A_676 = vector.load %arg3[%get3A_674, %get3A_675] : memref<1x8192xf32, #tpu.memory_space<vmem>>, vector<1x128xf32>
    %add3A_677 = vector.broadcast %broadcast_in_dim3A : vector<4096x1xf32> to vector<4096x128xf32>
    %add3A_678 = vector.broadcast %get3A_676 : vector<1x128xf32> to vector<4096x128xf32>
    %add3A_679 = arith.addf %add3A_677, %add3A_678 : vector<4096x128xf32>
    %slice3A_680 = vector.extract_strided_slice %dot_general3A_6 {offsets = [0, 6656], sizes = [4096, 128], strides = [1, 1]} : vector<4096x8192xf32> to vector<4096x128xf32>
    %sub3A_681 = arith.subf %add3A_679, %slice3A_680 : vector<4096x128xf32>
    %lt3A_682 = arith.cmpf olt, %sub3A_681, %min3A_670 : vector<4096x128xf32>
    %min3A_683 = arith.minimumf %sub3A_681, %min3A_670 : vector<4096x128xf32>
    %jit3A_684 = arith.constant 5.200000e+01 : f32
    %broadcast_in_dim3A_685 = vector.broadcast %jit3A_684 : f32 to vector<4096x128xf32>
    %select_n3A_686 = arith.select %lt3A_682, %broadcast_in_dim3A_685, %select_n3A_673 : vector<4096x128xi1>, vector<4096x128xf32>
    %get3A_687 = arith.constant 0 : index
    %get3A_688 = arith.constant 6784 : index
    %get3A_689 = vector.load %arg3[%get3A_687, %get3A_688] : memref<1x8192xf32, #tpu.memory_space<vmem>>, vector<1x128xf32>
    %add3A_690 = vector.broadcast %broadcast_in_dim3A : vector<4096x1xf32> to vector<4096x128xf32>
    %add3A_691 = vector.broadcast %get3A_689 : vector<1x128xf32> to vector<4096x128xf32>
    %add3A_692 = arith.addf %add3A_690, %add3A_691 : vector<4096x128xf32>
    %slice3A_693 = vector.extract_strided_slice %dot_general3A_6 {offsets = [0, 6784], sizes = [4096, 128], strides = [1, 1]} : vector<4096x8192xf32> to vector<4096x128xf32>
    %sub3A_694 = arith.subf %add3A_692, %slice3A_693 : vector<4096x128xf32>
    %lt3A_695 = arith.cmpf olt, %sub3A_694, %min3A_683 : vector<4096x128xf32>
    %min3A_696 = arith.minimumf %sub3A_694, %min3A_683 : vector<4096x128xf32>
    %jit3A_697 = arith.constant 5.300000e+01 : f32
    %broadcast_in_dim3A_698 = vector.broadcast %jit3A_697 : f32 to vector<4096x128xf32>
    %select_n3A_699 = arith.select %lt3A_695, %broadcast_in_dim3A_698, %select_n3A_686 : vector<4096x128xi1>, vector<4096x128xf32>
    %get3A_700 = arith.constant 0 : index
    %get3A_701 = arith.constant 6912 : index
    %get3A_702 = vector.load %arg3[%get3A_700, %get3A_701] : memref<1x8192xf32, #tpu.memory_space<vmem>>, vector<1x128xf32>
    %add3A_703 = vector.broadcast %broadcast_in_dim3A : vector<4096x1xf32> to vector<4096x128xf32>
    %add3A_704 = vector.broadcast %get3A_702 : vector<1x128xf32> to vector<4096x128xf32>
    %add3A_705 = arith.addf %add3A_703, %add3A_704 : vector<4096x128xf32>
    %slice3A_706 = vector.extract_strided_slice %dot_general3A_6 {offsets = [0, 6912], sizes = [4096, 128], strides = [1, 1]} : vector<4096x8192xf32> to vector<4096x128xf32>
    %sub3A_707 = arith.subf %add3A_705, %slice3A_706 : vector<4096x128xf32>
    %lt3A_708 = arith.cmpf olt, %sub3A_707, %min3A_696 : vector<4096x128xf32>
    %min3A_709 = arith.minimumf %sub3A_707, %min3A_696 : vector<4096x128xf32>
    %jit3A_710 = arith.constant 5.400000e+01 : f32
    %broadcast_in_dim3A_711 = vector.broadcast %jit3A_710 : f32 to vector<4096x128xf32>
    %select_n3A_712 = arith.select %lt3A_708, %broadcast_in_dim3A_711, %select_n3A_699 : vector<4096x128xi1>, vector<4096x128xf32>
    %get3A_713 = arith.constant 0 : index
    %get3A_714 = arith.constant 7040 : index
    %get3A_715 = vector.load %arg3[%get3A_713, %get3A_714] : memref<1x8192xf32, #tpu.memory_space<vmem>>, vector<1x128xf32>
    %add3A_716 = vector.broadcast %broadcast_in_dim3A : vector<4096x1xf32> to vector<4096x128xf32>
    %add3A_717 = vector.broadcast %get3A_715 : vector<1x128xf32> to vector<4096x128xf32>
    %add3A_718 = arith.addf %add3A_716, %add3A_717 : vector<4096x128xf32>
    %slice3A_719 = vector.extract_strided_slice %dot_general3A_6 {offsets = [0, 7040], sizes = [4096, 128], strides = [1, 1]} : vector<4096x8192xf32> to vector<4096x128xf32>
    %sub3A_720 = arith.subf %add3A_718, %slice3A_719 : vector<4096x128xf32>
    %lt3A_721 = arith.cmpf olt, %sub3A_720, %min3A_709 : vector<4096x128xf32>
    %min3A_722 = arith.minimumf %sub3A_720, %min3A_709 : vector<4096x128xf32>
    %jit3A_723 = arith.constant 5.500000e+01 : f32
    %broadcast_in_dim3A_724 = vector.broadcast %jit3A_723 : f32 to vector<4096x128xf32>
    %select_n3A_725 = arith.select %lt3A_721, %broadcast_in_dim3A_724, %select_n3A_712 : vector<4096x128xi1>, vector<4096x128xf32>
    %get3A_726 = arith.constant 0 : index
    %get3A_727 = arith.constant 7168 : index
    %get3A_728 = vector.load %arg3[%get3A_726, %get3A_727] : memref<1x8192xf32, #tpu.memory_space<vmem>>, vector<1x128xf32>
    %add3A_729 = vector.broadcast %broadcast_in_dim3A : vector<4096x1xf32> to vector<4096x128xf32>
    %add3A_730 = vector.broadcast %get3A_728 : vector<1x128xf32> to vector<4096x128xf32>
    %add3A_731 = arith.addf %add3A_729, %add3A_730 : vector<4096x128xf32>
    %slice3A_732 = vector.extract_strided_slice %dot_general3A_6 {offsets = [0, 7168], sizes = [4096, 128], strides = [1, 1]} : vector<4096x8192xf32> to vector<4096x128xf32>
    %sub3A_733 = arith.subf %add3A_731, %slice3A_732 : vector<4096x128xf32>
    %lt3A_734 = arith.cmpf olt, %sub3A_733, %min3A_722 : vector<4096x128xf32>
    %min3A_735 = arith.minimumf %sub3A_733, %min3A_722 : vector<4096x128xf32>
    %jit3A_736 = arith.constant 5.600000e+01 : f32
    %broadcast_in_dim3A_737 = vector.broadcast %jit3A_736 : f32 to vector<4096x128xf32>
    %select_n3A_738 = arith.select %lt3A_734, %broadcast_in_dim3A_737, %select_n3A_725 : vector<4096x128xi1>, vector<4096x128xf32>
    %get3A_739 = arith.constant 0 : index
    %get3A_740 = arith.constant 7296 : index
    %get3A_741 = vector.load %arg3[%get3A_739, %get3A_740] : memref<1x8192xf32, #tpu.memory_space<vmem>>, vector<1x128xf32>
    %add3A_742 = vector.broadcast %broadcast_in_dim3A : vector<4096x1xf32> to vector<4096x128xf32>
    %add3A_743 = vector.broadcast %get3A_741 : vector<1x128xf32> to vector<4096x128xf32>
    %add3A_744 = arith.addf %add3A_742, %add3A_743 : vector<4096x128xf32>
    %slice3A_745 = vector.extract_strided_slice %dot_general3A_6 {offsets = [0, 7296], sizes = [4096, 128], strides = [1, 1]} : vector<4096x8192xf32> to vector<4096x128xf32>
    %sub3A_746 = arith.subf %add3A_744, %slice3A_745 : vector<4096x128xf32>
    %lt3A_747 = arith.cmpf olt, %sub3A_746, %min3A_735 : vector<4096x128xf32>
    %min3A_748 = arith.minimumf %sub3A_746, %min3A_735 : vector<4096x128xf32>
    %jit3A_749 = arith.constant 5.700000e+01 : f32
    %broadcast_in_dim3A_750 = vector.broadcast %jit3A_749 : f32 to vector<4096x128xf32>
    %select_n3A_751 = arith.select %lt3A_747, %broadcast_in_dim3A_750, %select_n3A_738 : vector<4096x128xi1>, vector<4096x128xf32>
    %get3A_752 = arith.constant 0 : index
    %get3A_753 = arith.constant 7424 : index
    %get3A_754 = vector.load %arg3[%get3A_752, %get3A_753] : memref<1x8192xf32, #tpu.memory_space<vmem>>, vector<1x128xf32>
    %add3A_755 = vector.broadcast %broadcast_in_dim3A : vector<4096x1xf32> to vector<4096x128xf32>
    %add3A_756 = vector.broadcast %get3A_754 : vector<1x128xf32> to vector<4096x128xf32>
    %add3A_757 = arith.addf %add3A_755, %add3A_756 : vector<4096x128xf32>
    %slice3A_758 = vector.extract_strided_slice %dot_general3A_6 {offsets = [0, 7424], sizes = [4096, 128], strides = [1, 1]} : vector<4096x8192xf32> to vector<4096x128xf32>
    %sub3A_759 = arith.subf %add3A_757, %slice3A_758 : vector<4096x128xf32>
    %lt3A_760 = arith.cmpf olt, %sub3A_759, %min3A_748 : vector<4096x128xf32>
    %min3A_761 = arith.minimumf %sub3A_759, %min3A_748 : vector<4096x128xf32>
    %jit3A_762 = arith.constant 5.800000e+01 : f32
    %broadcast_in_dim3A_763 = vector.broadcast %jit3A_762 : f32 to vector<4096x128xf32>
    %select_n3A_764 = arith.select %lt3A_760, %broadcast_in_dim3A_763, %select_n3A_751 : vector<4096x128xi1>, vector<4096x128xf32>
    %get3A_765 = arith.constant 0 : index
    %get3A_766 = arith.constant 7552 : index
    %get3A_767 = vector.load %arg3[%get3A_765, %get3A_766] : memref<1x8192xf32, #tpu.memory_space<vmem>>, vector<1x128xf32>
    %add3A_768 = vector.broadcast %broadcast_in_dim3A : vector<4096x1xf32> to vector<4096x128xf32>
    %add3A_769 = vector.broadcast %get3A_767 : vector<1x128xf32> to vector<4096x128xf32>
    %add3A_770 = arith.addf %add3A_768, %add3A_769 : vector<4096x128xf32>
    %slice3A_771 = vector.extract_strided_slice %dot_general3A_6 {offsets = [0, 7552], sizes = [4096, 128], strides = [1, 1]} : vector<4096x8192xf32> to vector<4096x128xf32>
    %sub3A_772 = arith.subf %add3A_770, %slice3A_771 : vector<4096x128xf32>
    %lt3A_773 = arith.cmpf olt, %sub3A_772, %min3A_761 : vector<4096x128xf32>
    %min3A_774 = arith.minimumf %sub3A_772, %min3A_761 : vector<4096x128xf32>
    %jit3A_775 = arith.constant 5.900000e+01 : f32
    %broadcast_in_dim3A_776 = vector.broadcast %jit3A_775 : f32 to vector<4096x128xf32>
    %select_n3A_777 = arith.select %lt3A_773, %broadcast_in_dim3A_776, %select_n3A_764 : vector<4096x128xi1>, vector<4096x128xf32>
    %get3A_778 = arith.constant 0 : index
    %get3A_779 = arith.constant 7680 : index
    %get3A_780 = vector.load %arg3[%get3A_778, %get3A_779] : memref<1x8192xf32, #tpu.memory_space<vmem>>, vector<1x128xf32>
    %add3A_781 = vector.broadcast %broadcast_in_dim3A : vector<4096x1xf32> to vector<4096x128xf32>
    %add3A_782 = vector.broadcast %get3A_780 : vector<1x128xf32> to vector<4096x128xf32>
    %add3A_783 = arith.addf %add3A_781, %add3A_782 : vector<4096x128xf32>
    %slice3A_784 = vector.extract_strided_slice %dot_general3A_6 {offsets = [0, 7680], sizes = [4096, 128], strides = [1, 1]} : vector<4096x8192xf32> to vector<4096x128xf32>
    %sub3A_785 = arith.subf %add3A_783, %slice3A_784 : vector<4096x128xf32>
    %lt3A_786 = arith.cmpf olt, %sub3A_785, %min3A_774 : vector<4096x128xf32>
    %min3A_787 = arith.minimumf %sub3A_785, %min3A_774 : vector<4096x128xf32>
    %jit3A_788 = arith.constant 6.000000e+01 : f32
    %broadcast_in_dim3A_789 = vector.broadcast %jit3A_788 : f32 to vector<4096x128xf32>
    %select_n3A_790 = arith.select %lt3A_786, %broadcast_in_dim3A_789, %select_n3A_777 : vector<4096x128xi1>, vector<4096x128xf32>
    %get3A_791 = arith.constant 0 : index
    %get3A_792 = arith.constant 7808 : index
    %get3A_793 = vector.load %arg3[%get3A_791, %get3A_792] : memref<1x8192xf32, #tpu.memory_space<vmem>>, vector<1x128xf32>
    %add3A_794 = vector.broadcast %broadcast_in_dim3A : vector<4096x1xf32> to vector<4096x128xf32>
    %add3A_795 = vector.broadcast %get3A_793 : vector<1x128xf32> to vector<4096x128xf32>
    %add3A_796 = arith.addf %add3A_794, %add3A_795 : vector<4096x128xf32>
    %slice3A_797 = vector.extract_strided_slice %dot_general3A_6 {offsets = [0, 7808], sizes = [4096, 128], strides = [1, 1]} : vector<4096x8192xf32> to vector<4096x128xf32>
    %sub3A_798 = arith.subf %add3A_796, %slice3A_797 : vector<4096x128xf32>
    %lt3A_799 = arith.cmpf olt, %sub3A_798, %min3A_787 : vector<4096x128xf32>
    %min3A_800 = arith.minimumf %sub3A_798, %min3A_787 : vector<4096x128xf32>
    %jit3A_801 = arith.constant 6.100000e+01 : f32
    %broadcast_in_dim3A_802 = vector.broadcast %jit3A_801 : f32 to vector<4096x128xf32>
    %select_n3A_803 = arith.select %lt3A_799, %broadcast_in_dim3A_802, %select_n3A_790 : vector<4096x128xi1>, vector<4096x128xf32>
    %get3A_804 = arith.constant 0 : index
    %get3A_805 = arith.constant 7936 : index
    %get3A_806 = vector.load %arg3[%get3A_804, %get3A_805] : memref<1x8192xf32, #tpu.memory_space<vmem>>, vector<1x128xf32>
    %add3A_807 = vector.broadcast %broadcast_in_dim3A : vector<4096x1xf32> to vector<4096x128xf32>
    %add3A_808 = vector.broadcast %get3A_806 : vector<1x128xf32> to vector<4096x128xf32>
    %add3A_809 = arith.addf %add3A_807, %add3A_808 : vector<4096x128xf32>
    %slice3A_810 = vector.extract_strided_slice %dot_general3A_6 {offsets = [0, 7936], sizes = [4096, 128], strides = [1, 1]} : vector<4096x8192xf32> to vector<4096x128xf32>
    %sub3A_811 = arith.subf %add3A_809, %slice3A_810 : vector<4096x128xf32>
    %lt3A_812 = arith.cmpf olt, %sub3A_811, %min3A_800 : vector<4096x128xf32>
    %min3A_813 = arith.minimumf %sub3A_811, %min3A_800 : vector<4096x128xf32>
    %jit3A_814 = arith.constant 6.200000e+01 : f32
    %broadcast_in_dim3A_815 = vector.broadcast %jit3A_814 : f32 to vector<4096x128xf32>
    %select_n3A_816 = arith.select %lt3A_812, %broadcast_in_dim3A_815, %select_n3A_803 : vector<4096x128xi1>, vector<4096x128xf32>
    %get3A_817 = arith.constant 0 : index
    %get3A_818 = arith.constant 8064 : index
    %get3A_819 = vector.load %arg3[%get3A_817, %get3A_818] : memref<1x8192xf32, #tpu.memory_space<vmem>>, vector<1x128xf32>
    %add3A_820 = vector.broadcast %broadcast_in_dim3A : vector<4096x1xf32> to vector<4096x128xf32>
    %add3A_821 = vector.broadcast %get3A_819 : vector<1x128xf32> to vector<4096x128xf32>
    %add3A_822 = arith.addf %add3A_820, %add3A_821 : vector<4096x128xf32>
    %slice3A_823 = vector.extract_strided_slice %dot_general3A_6 {offsets = [0, 8064], sizes = [4096, 128], strides = [1, 1]} : vector<4096x8192xf32> to vector<4096x128xf32>
    %sub3A_824 = arith.subf %add3A_822, %slice3A_823 : vector<4096x128xf32>
    %lt3A_825 = arith.cmpf olt, %sub3A_824, %min3A_813 : vector<4096x128xf32>
    %min3A_826 = arith.minimumf %sub3A_824, %min3A_813 : vector<4096x128xf32>
    %jit3A_827 = arith.constant 6.300000e+01 : f32
    %broadcast_in_dim3A_828 = vector.broadcast %jit3A_827 : f32 to vector<4096x128xf32>
    %select_n3A_829 = arith.select %lt3A_825, %broadcast_in_dim3A_828, %select_n3A_816 : vector<4096x128xi1>, vector<4096x128xf32>
    %iota3A = tpu.iota {dimensions = array<i32: 1>} : vector<4096x128xi32>
    %convert_element_type3A = arith.sitofp %iota3A : vector<4096x128xi32> to vector<4096x128xf32>
    %mul3A_830 = arith.constant 1.280000e+02 : f32
    %mul3A_831 = vector.broadcast %mul3A_830 : f32 to vector<4096x128xf32>
    %mul3A_832 = arith.mulf %select_n3A_829, %mul3A_831 : vector<4096x128xf32>
    %add3A_833 = arith.addf %mul3A_832, %convert_element_type3A : vector<4096x128xf32>
    %reduce_min3A = arith.constant dense<0x7F800000> : vector<4096xf32>
    %reduce_min3A_834 = vector.multi_reduction <minimumf>, %min3A_826, %reduce_min3A [1] : vector<4096x128xf32> to vector<4096xf32>
    %broadcast_in_dim3A_835 = vector.shape_cast %reduce_min3A_834 : vector<4096xf32> to vector<4096x1xf32>
    %eq3A = vector.broadcast %broadcast_in_dim3A_835 : vector<4096x1xf32> to vector<4096x128xf32>
    %eq3A_836 = arith.cmpf oeq, %min3A_826, %eq3A : vector<4096x128xf32>
    %jit3A_837 = arith.constant 8.192000e+03 : f32
    %broadcast_in_dim3A_838 = vector.broadcast %jit3A_837 : f32 to vector<4096x128xf32>
    %select_n3A_839 = arith.select %eq3A_836, %add3A_833, %broadcast_in_dim3A_838 : vector<4096x128xi1>, vector<4096x128xf32>
    %reduce_min3A_840 = arith.constant dense<0x7F800000> : vector<4096xf32>
    %reduce_min3A_841 = vector.multi_reduction <minimumf>, %select_n3A_839, %reduce_min3A_840 [1] : vector<4096x128xf32> to vector<4096xf32>
    %convert_element_type3A_842 = arith.fptosi %reduce_min3A_841 : vector<4096xf32> to vector<4096xi32>
    %swap3A = arith.constant 0 : index
    %swap3A_843 = arith.constant 0 : index
    %swap3A_844 = arith.constant 0 : index
    %swap3A_845 = vector.load %arg4[%swap3A, %swap3A_843, %swap3A_844] : memref<1x1x4096xi32, #tpu.memory_space<vmem>>, vector<1x1x4096xi32>
    %swap3A_846 = vector.shape_cast %swap3A_845 : vector<1x1x4096xi32> to vector<4096xi32>
    %swap3A_847 = vector.shape_cast %convert_element_type3A_842 : vector<4096xi32> to vector<1x1x4096xi32>
    tpu.vector_store %arg4[%swap3A, %swap3A_843, %swap3A_844], %swap3A_847 {strides = array<i32>} : memref<1x1x4096xi32, #tpu.memory_space<vmem>>, vector<1x1x4096xi32>,
    %squeeze3A = vector.shape_cast %broadcast_in_dim3A_835 : vector<4096x1xf32> to vector<4096xf32>
    %swap3A_848 = arith.constant 0 : index
    %swap3A_849 = arith.constant 0 : index
    %swap3A_850 = arith.constant 0 : index
    %swap3A_851 = vector.load %arg5[%swap3A_848, %swap3A_849, %swap3A_850] : memref<1x1x4096xf32, #tpu.memory_space<vmem>>, vector<1x1x4096xf32>
    %swap3A_852 = vector.shape_cast %swap3A_851 : vector<1x1x4096xf32> to vector<4096xf32>
    %swap3A_853 = vector.shape_cast %squeeze3A : vector<4096xf32> to vector<1x1x4096xf32>
    tpu.vector_store %arg5[%swap3A_848, %swap3A_849, %swap3A_850], %swap3A_853 {strides = array<i32>} : memref<1x1x4096xf32, #tpu.memory_space<vmem>>, vector<1x1x4096xf32>,
    return
  }
  func.func @transform_0(%arg0: i32) -> (i32, i32) {
    %c0_i32 = arith.constant 0 : i32
    %c0_i32_0 = arith.constant 0 : i32
    return %arg0, %c0_i32 : i32, i32
  }
  func.func @transform_1(%arg0: i32) -> (i32, i32) {
    %c0_i32 = arith.constant 0 : i32
    %c0_i32_0 = arith.constant 0 : i32
    %c0_i32_1 = arith.constant 0 : i32
    return %c0_i32, %c0_i32_0 : i32, i32
  }
  func.func @transform_2(%arg0: i32) -> (i32, i32) {
    %c0_i32 = arith.constant 0 : i32
    %c0_i32_0 = arith.constant 0 : i32
    %c0_i32_1 = arith.constant 0 : i32
    return %c0_i32, %c0_i32_0 : i32, i32
  }
  func.func @transform_3(%arg0: i32) -> (i32, i32, i32) {
    %c0_i32 = arith.constant 0 : i32
    %c0_i32_0 = arith.constant 0 : i32
    %c0_i32_1 = arith.constant 0 : i32
    return %arg0, %c0_i32, %c0_i32_0 : i32, i32, i32
  }
  func.func @transform_4(%arg0: i32) -> (i32, i32, i32) {
    %c0_i32 = arith.constant 0 : i32
    %c0_i32_0 = arith.constant 0 : i32
    %c0_i32_1 = arith.constant 0 : i32
    return %arg0, %c0_i32, %c0_i32_0 : i32, i32, i32
  }
}

</mosaic_0001>

<sc_bundles>
// kernel: kernel.4.cloned.1.call-start
scs
__scs_entry_jumppad:
0x0: {  	(pc) =	sbr.rel $0x88, $3  }
0x1: {  	(tag) =	ssettag $0x0;
	lr =	simm.s32 $0x1  }
0x2: {  	[smem:$0x3F9F] =	sst lr;
	_ =	strace $0xD0000000  }
0x3: {  	_ = 	snop  }
0x4: {  	_ = 	snop  }
0x5: {  	_ = 	snop  }
0x6: {  	_ = 	snop  }
0x7: {  	_ = 	snop  }
__scs_overlays_trampoline_lowered:
0x8: {  	[smem:$0x3FAE] =	sst s0  }
0x9: {  	[smem:$0x3FAF] =	sst s1  }
0xa: {  	[smem:$0x3FB0] =	sst s2  }
0xb: {  	[smem:$0x3FB1] =	sst s3  }
0xc: {  	[smem:$0x3FB2] =	sst s4  }
0xd: {  	[smem:$0x3FB3] =	sst s5  }
0xe: {  	[smem:$0x3FB4] =	sst s6  }
0xf: {  	[smem:$0x3FB5] =	sst s7  }
0x10: {  	[smem:$0x3FB6] =	sst s8  }
0x11: {  	[smem:$0x3FB7] =	sst s9;
	s0 =	simm.s32 @!p0 $0x0  }
0x12: {  	s1 =	sld [smem:$0x3F9D];
	s0 =	simm.s32 @p0 $0x1  }
0x13: {  	[smem:$0x3FB8] =	sst s0;
	s0 =	simm.s32 @!p1 $0x0  }
0x14: {  	s2 =	sld [smem:$0x3F9C];
	s0 =	simm.s32 @p1 $0x1  }
0x15: {  	[smem:$0x3FB9] =	sst s0;
	s0 =	simm.s32 @!p2 $0x0  }
0x16: {  	s3 =	sld [smem:$0x3FDB];
	s0 =	simm.s32 @p2 $0x1  }
0x17: {  	s4 =	simm.s32 $0x1BF5;
	[smem:$0x3FBB] =	sst s0  }
0x18: {  	s0 =	sld [smem:$0x3F9E];
	_ =	swait.ge [sflag:s4], $0x0  }
0x19: {  	s7 =	sld [smem:$0x3F9F]  }
0x1a: {  	s8 =	sadd.s32 $0xFFFFE003, lr  }
0x1b: {  	s9 =	sadd.s32 $0xFFFFFEF7, lr;
	s5 =	simm.s32 $0xFFFFFFFF;
	p2 =	slt.u32 s8, $0xFFFFF086  }
0x1c: {  	p1 =	slt.u32 s9, $0xF7A;
	s5 =	simm.s32 @!p2 $0x0  }
0x1d: {  	s5 =	simm.s32 @p1 $0x1;
	p0 =	seq.s32 s7, s2  }
0x1e: {  	s7 =	smul.u32 @!p0 $0xF7A, s2;
	p2 =	seq.s32 @!p0 s5, $0x0  }
0x1f: {  	s9 =	smul.u32 $0xF7A, s1;
	s8 =	simm.s32 @!p0 $0x1BF5;
	p2 =	por !p2, p0  }
0x20: {  	[sflag:s8] =	ssyncset.s32 @!p0 $0xFFFFF086;
	s6 =	sadd.s32 @!p0 s3, s7;
	s7 =	simm.s32 @!p0 $0x108  }
0x21: {  	s3 =	sadd.s32 s3, s9;
	s6 =	sadd.s32 @!p0 $0x88, s6;
	s7 =	simm.s32 @p2 $0x1082  }
0x22: {  	[simem:s7], [sflag:s8] =	dma.local @!p0 [hbm:s6], $0xF7A  }
0x23: {  	s9 =	sor.u32 $0xD0000000, s2;
	s6 =	simm.s32 $0x108;
	_ =	swait.ge @!p0 [sflag:s8], $0x0  }
0x24: {  	s3 =	sadd.s32 $0x88, s3;
	s6 =	simm.s32 @!p1 $0x1082;
	[sflag:s4] =	ssyncset.s32 $0xFFFFF086  }
0x25: {  	[simem:s6], [sflag:s4] =	dma.local [hbm:s3], $0xF7A  }
0x26: {  	[smem:$0x3F9F] =	sst s1;
	(tag) =	ssettag s2;
	_ =	strace s9  }
0x27: {  	s1 =	sld [smem:$0x3FAF]  }
0x28: {  	s2 =	sld [smem:$0x3FB0]  }
0x29: {  	s4 =	sld [smem:$0x3FB2]  }
0x2a: {  	p0 =	seq.s32 s5, $0x0;
	s5 =	sld [smem:$0x3FB3]  }
0x2b: {  	s6 =	sld [smem:$0x3FB4]  }
0x2c: {  	s7 =	sld [smem:$0x3FB5]  }
0x2d: {  	s3 =	simm.s32 $0x108;
	s8 =	sld [smem:$0x3FB6]  }
0x2e: {  	s3 =	simm.s32 @!p0 $0x1082;
	s9 =	sld [smem:$0x3FB7]  }
0x2f: {  	lr =	sadd.s32 s0, s3;
	s0 =	sld [smem:$0x3FAE]  }
0x30: {  	s3 =	sld [smem:$0x3FB1]  }
0x31: {  	[smem:$0x3FBA] =	sst s10  }
0x32: {  	s10 =	sld [smem:$0x3FB8];
	_ =	sdelay $0x3  }
0x33: {  	p0 =	seq.s32 s10, $0x1;
	s10 =	sld [smem:$0x3FBA];
	_ =	sdelay $0x3  }
0x34: {  	[smem:$0x3FBA] =	sst s10  }
0x35: {  	s10 =	sld [smem:$0x3FB9];
	_ =	sdelay $0x3  }
0x36: {  	p1 =	seq.s32 s10, $0x1;
	s10 =	sld [smem:$0x3FBA];
	_ =	sdelay $0x3  }
0x37: {  	[smem:$0x3FBA] =	sst s10  }
0x38: {  	s10 =	sld [smem:$0x3FBB]  }
0x39: {  	_ = 	snop;
	(pc) =	sbr.ind lr, $3  }
0x3a: {  	_ = 	snop  }
0x3b: {  	_ = 	snop  }
0x3c: {  	p2 =	seq.s32 s10, $0x1;
	s10 =	sld [smem:$0x3FBA]  }
0x3d: {  	_ =	shalt  }
0x3e: {  	_ =	shalt  }
0x3f: {  	_ =	shalt  }
0x40: {  	_ =	shalt  }
0x41: {  	_ =	shalt  }
0x42: {  	_ =	shalt  }
0x43: {  	_ =	shalt  }
0x44: {  	_ =	shalt  }
0x45: {  	_ =	shalt  }
0x46: {  	_ =	shalt  }
0x47: {  	_ =	shalt  }
0x48: {  	_ =	shalt  }
0x49: {  	_ =	shalt  }
0x4a: {  	_ =	shalt  }
0x4b: {  	_ =	shalt  }
0x4c: {  	_ =	shalt  }
0x4d: {  	_ =	shalt  }
0x4e: {  	_ =	shalt  }
0x4f: {  	_ =	shalt  }
0x50: {  	_ =	shalt  }
0x51: {  	_ =	shalt  }
0x52: {  	_ =	shalt  }
0x53: {  	_ =	shalt  }
0x54: {  	_ =	shalt  }
0x55: {  	_ =	shalt  }
0x56: {  	_ =	shalt  }
0x57: {  	_ =	shalt  }
0x58: {  	_ =	shalt  }
0x59: {  	_ =	shalt  }
0x5a: {  	_ =	shalt  }
0x5b: {  	_ =	shalt  }
0x5c: {  	_ =	shalt  }
0x5d: {  	_ =	shalt  }
0x5e: {  	_ =	shalt  }
0x5f: {  	_ =	shalt  }
0x60: {  	_ =	shalt  }
0x61: {  	_ =	shalt  }
0x62: {  	_ =	shalt  }
0x63: {  	_ =	shalt  }
0x64: {  	_ =	shalt  }
0x65: {  	_ =	shalt  }
0x66: {  	_ =	shalt  }
0x67: {  	_ =	shalt  }
0x68: {  	_ =	shalt  }
0x69: {  	_ =	shalt  }
0x6a: {  	_ =	shalt  }
0x6b: {  	_ =	shalt  }
0x6c: {  	_ =	shalt  }
0x6d: {  	_ =	shalt  }
0x6e: {  	_ =	shalt  }
0x6f: {  	_ =	shalt  }
0x70: {  	_ =	shalt  }
0x71: {  	_ =	shalt  }
0x72: {  	_ =	shalt  }
0x73: {  	_ =	shalt  }
0x74: {  	_ =	shalt  }
0x75: {  	_ =	shalt  }
0x76: {  	_ =	shalt  }
0x77: {  	_ =	shalt  }
0x78: {  	_ =	shalt  }
0x79: {  	_ =	shalt  }
0x7a: {  	_ =	shalt  }
0x7b: {  	_ =	shalt  }
0x7c: {  	_ =	shalt  }
0x7d: {  	_ =	shalt  }
0x7e: {  	_ =	shalt  }
0x7f: {  	_ =	shalt  }
0x80: {  	_ =	shalt  }
0x81: {  	_ =	shalt  }
0x82: {  	_ =	shalt  }
0x83: {  	_ =	shalt  }
0x84: {  	_ =	shalt  }
0x85: {  	_ =	shalt  }
0x86: {  	_ =	shalt  }
0x87: {  	_ =	shalt  }
.Lfunc_end0:
.L_simem_size_0:
called_computation_lowered:
.L_overlay_start_0:
0x88: {  	s2 =	sld [smem:$0x3FD9]  }
0x89: {  	s3 =	sld [smem:$0x3FFE];
	_ =	sdelay $0x1  }
0x8a: {  	s1 =	srdreg.scid  }
0x8b: {  	s0 =	sand.u32 $0x1, s1  }
0x8c: {  	s14 =	sshll.u32 s0, $0xA;
	s2 =	sadd.s32 s3, s2  }
0x8d: {  	s2 =	sadd.s32 s2, s14  }
0x8e: {  	[smem:$0x3FC6] =	sst s2  }
0x8f: {  	_ = 	snop  }
0x90: {  	s2 =	sld [smem:$0x3FD0];
	_ =	sdelay $0x2  }
0x91: {  	s4 =	simm.s32 $0xA;
	s5 =	simm.s32 $0x10;
	s15 =	sld [smem:$0x3FC8]  }
0x92: {  	[smem:s5], [sflag:s4] =	dma.local [hbm:s2], $0x1  }
0x93: {  	_ =	swait.eq [sflag:s4], $0x1  }
0x94: {  	[sflag:s4] =	ssyncset.done $0x0  }
0x95: {  	[sflag:s4] =	ssyncadd.s32 $0xFFFFFFFF  }
0x96: {  	s16 =	sld [smem:$0x10];
	(tm) =	ssettm $0x1  }
0x97: {  	s17 =	sld [smem:$0x3FFB];
	_ =	sdelay $0x3  }
0x98: {  	_ =	strace s17  }
0x99: {  	s4 =	sld [smem:$0x3FFC];
	_ =	sdelay $0x3  }
0x9a: {  	_ =	strace s4  }
0x9b: {  	s4 =	sld [smem:$0x3FFD];
	_ =	sdelay $0x3  }
0x9c: {  	_ =	strace s4  }
0x9d: {  	_ =	strace $0x8FFFFFFF  }
0x9e: {  	s18 =	sld [smem:$0x3FDB];
	_ =	sdelay $0x1  }
0x9f: {  	s19 =	simm.s32 $_scs_section_size  }
0xa0: {  	s6 =	simm.s32 $_size__tile_overlayer_lowered;
	s7 =	simm.s32 $_tile_overlayer_lowered  }
0xa1: {  	s22 =	simm.s32 $0x1BFF;
	s21 =	sshll.u32 s7, $0x1;
	s4 =	sadd.s32 s19, s18  }
0xa2: {  	s8 =	simm.s32 $0x0;
	s20 =	sshll.u32 s6, $0x1;
	s6 =	sadd.s32 s21, s4  }
0xa3: {  	[timem:s8], [sflag:s22] =	dma.local [hbm:s6], s20  }
0xa4: {  	_ =	swait.ge [sflag:s22], s20  }
0xa5: {  	s5 =	ssub.s32 $0x0, s20;
	[sflag:s22] =	ssyncset.done $0x0  }
0xa6: {  	[sflag:s22] =	ssyncadd.s32 s5;
	_ =	sdelay $0x1  }
0xa7: {  	s23 =	simm.s32 $0x1B8B  }
0xa8: {  	_ =	swait.ge [sflag:s23], $0x1  }
0xa9: {  	[sflag:s23] =	ssyncset.done $0x0  }
0xaa: {  	s25 =	simm.s32 $0x1B8E;
	s24 =	sld [smem:$0x3FFE];
	[sflag:s23] =	ssyncadd.s32 $0xFFFFFFFF  }
0xab: {  	s26 =	simm.s32 $execute0_lowered;
	[smem:$0x3FD2] =	sst s25  }
0xac: {  	s6 =	sshll.u32 s26, $0x1;
	_ =	strace $0x80000046;
	[dreg:$0x1] =	wrdreg $0xFFFFFFFF  }
0xad: {  	s28 =	simm.s32 $_size_execute0_lowered;
	s4 =	sadd.s32 s4, s6;
	[dreg:$0x0] =	wrdreg $0x0  }
0xae: {  	s6 =	sshll.u32 s28, $0x1;
	[dreg:$0x2] =	wrdreg s4  }
0xaf: {  	[dreg:$0x3] =	wrdreg s6  }
0xb0: {  	[dreg:$0x4] =	wrdreg $0xC0  }
0xb1: {  	_ =	task [dreg:s8], $0x5FFFF  }
0xb2: {  	[dreg:$0x1] =	wrdreg $0xFFFFFFFF  }
0xb3: {  	[dreg:$0x0] =	wrdreg $0x60  }
0xb4: {  	[dreg:$0x2] =	wrdreg s15  }
0xb5: {  	[dreg:$0x3] =	wrdreg s24  }
0xb6: {  	[dreg:$0x4] =	wrdreg s16  }
0xb7: {  	[dreg:$0x5] =	wrdreg $0x9  }
0xb8: {  	_ =	task.clear_ibuf [dreg:s8], $0x6FFFF;
	_ =	strace $0x90000046  }
0xb9: {  	s29 =	simm.s32 $0x9;
	_ =	strace $0x80000048  }
0xba: {  	_ =	swait.ge [sflag:s29], $0x1  }
0xbb: {  	[sflag:s29] =	ssyncadd.s32 $0xFFFFFFFF  }
0xbc: {  	_ =	strace $0x90000048  }
0xbd: {  	_ =	sfence  }
0xbe: {  	s30 =	sld [smem:$0x0];
	_ =	sdelay $0x2  }
0xbf: {  	s31 =	sshll.u32 s1, $0xD;
	s1 =	sshrl.u32 s1, $0x2  }
0xc0: {  	s3 =	sand.u32 $0x4000, s31;
	s1 =	sadd.s32 s1, s30  }
0xc1: {  	s0 =	sor.u32 s3, s0;
	s1 =	sshll.u32 s1, $0x11  }
0xc2: {  	s0 =	sor.u32 s1, s0  }
0xc3: {  	s0 =	sadd.s32 $0x8F2B, s0  }
0xc4: {  	[sflag:s0] =	ssyncadd.remote.s32 $0x1  }
0xc5: {  	_ =	sfence.sel $0xFFFF  }
0xc6: {  	[dreg:$0x0] =	wrdreg $0xFFFFFFFF;
	(pc) =	sbr.abs _section_cstart, $3  }
0xc7: {  	[dreg:$0x1] =	wrdreg $0xFFFFFFFF  }
0xc8: {  	_ =	task.clear_ibuf [dreg:s8], $0x2FFFF;
	_ =	strace $0x9FFFFFFF  }
0xc9: {  	(tm) =	ssettm $0x7FFFFFFF  }
tec
execute0_lowered:
.L_overlay_start_1:
0x0: {  	(tag) =	ssettag $0x1  }
0x1: {  	s1 =	rddreg [dreg:$0x0]  }
0x2: {  	s2 =	rddreg [dreg:$0x1];
	s3 =	srdreg.scid  }
0x3: {  	s0 =	stileid.u32;
	s4 =	rddreg [dreg:$0x2]  }
0x4: {  	s17 =	simm.s32 $0x900;
	s18 =	simm.s32 $0x1100;
	s19 =	simm.s32 $0x1900  }
0x5: {  	s20 =	simm.s32 $0x2100;
	s21 =	simm.s32 $0x2900;
	s22 =	simm.s32 $0x3100  }
0x6: {  	s24 =	simm.s32 $0x3900;
	s5 =	sand.u32 $0x1, s3;
	s3 =	simm.s32 $0x0  }
0x7: {  	s25 =	simm.s32 $0x4100;
	s26 =	simm.s32 $0x4900;
	[smem:$0x7FF] =	sst s3  }
0x8: {  	s9 =	simm.s32 $0x5900;
	_ =	strace $0x80000047;
	[dreg:$0x6] =	wrdreg s17  }
0x9: {  	s10 =	simm.s32 $0x6100;
	s11 =	simm.s32 $0x6900;
	[dreg:$0x7] =	wrdreg s18  }
0xa: {  	s12 =	simm.s32 $0x7100;
	s13 =	simm.s32 $0x7900;
	[dreg:$0x8] =	wrdreg s19  }
0xb: {  	s14 =	simm.s32 $0x8100;
	s15 =	simm.s32 $0x8900;
	[dreg:$0x9] =	wrdreg s20  }
0xc: {  	s28 =	simm.s32 $0xE900;
	s29 =	simm.s32 $0xF100;
	[dreg:$0xa] =	wrdreg s21  }
0xd: {  	s30 =	simm.s32 $0xF900;
	s6 =	sshll.u32 s0, $0x1;
	[dreg:$0xb] =	wrdreg s22  }
0xe: {  	s31 =	simm.s32 $0x1;
	s6 =	sor.u32 s5, s6;
	[dreg:$0xc] =	wrdreg s24  }
0xf: {  	s5 =	ssub.s32 $0x2, s5;
	s7 =	sshll.u32 s6, $0x5;
	[dreg:$0xd] =	wrdreg s25  }
0x10: {  	s6 =	sshll.u32 s6, $0xD;
	s23 =	sshrl.u32 s5, $0x1;
	[dreg:$0xe] =	wrdreg s26  }
0x11: {  	s17 =	simm.s32 $0x9900;
	s18 =	simm.s32 $0xA100;
	s19 =	simm.s32 $0xA900  }
0x12: {  	s20 =	simm.s32 $0xB100;
	s21 =	simm.s32 $0xB900;
	s22 =	simm.s32 $0xC100  }
0x13: {  	s24 =	simm.s32 $0xD100;
	s25 =	simm.s32 $0xD900;
	s26 =	simm.s32 $0xE100  }
0x14: {  	s2 =	sadd.s32 s2, s7;
	s4 =	sadd.s32 s4, s6;
	s5 =	ssub.s32 s5, s23  }
0x15: {  	v2 =	vlaneseq.u32;
	s6 =	simm.s32 $0x3;
	s7 =	simm.s32 $0x100;
	s23 =	simm.s32 $0xC900  }
0x16: {  	vm0 =	vmmov $0xffff;
	v1 =	vshrl.u32 v2, $0x3;
	[dreg:$0x4] =	wrdreg s2;
	s16 =	sadd.s32 $0x1000, s4;
	s5 =	smax.u32 s5, $0x1  }
0x17: {  	v0 =	vand.u32 $0x7, v2;
	v2 =	vor.u32 $0x8, v2;
	v1 =	vmul.u32 $0x8, v1;
	s2 =	simm.s32 $0x2;
	[dreg:$0x5] =	wrdreg s16;
	s16 =	simm.s32 $0x9100  }
.LBB2_1:
0x18: {  	s0 =	rddreg [dreg:$0x4]  }
0x19: {  	[tilespmem:s3], [sflag:$0x3] =	stream.linear.gather [hbm4b:s0+s3], $0x100, $0x38;
	[tilespmem:$0x10100] =	vst v63  }
0x1a: {  	_ =	swait.ge [sflag:s6], $0x100  }
0x1b: {  	[sflag:s6] =	ssyncset.done $0x0  }
0x1c: {  	[sflag:s6] =	ssyncadd.s32 $0xFFFFFF00  }
0x1d: {  	v3 =	vld [tilespmem:$0x0];
	_ =	sdelay $0x4  }
0x1e: {  	v4 =	vshll.u32 v3, $0x1  }
0x1f: {  	v3 =	vand.u32 $0x7, v3;
	v4 =	vand.u32 $0xFFFFFFF0, v4  }
0x20: {  	v3 =	vor.u32 v3, v4  }
0x21: {  	v4 =	vperm.xlane v3, v0;
	_ =	sdelay $0x1  }
0x22: {  	v3 =	vperm.xlane v3, v2;
	v4 =	vadd.s32 v1, v4;
	_ =	sdelay $0x1  }
0x23: {  	v3 =	vadd.s32 v1, v3;
	_ =	sdelay $0x2  }
0x24: {  	[tilespmem:s7], [sflag:$0x1] =	stream.indirect_vreg.gather [hbm4b:s1+s3], $0x80, v4, vm0, $0xb8;
	[tilespmem:$0x10100] =	vst v63  }
0x25: {  	s8 =	rddreg [dreg:$0x6]  }
0x26: {  	[tilespmem:s8], [sflag:$0x1] =	stream.indirect_vreg.gather [hbm4b:s1+s3], $0x80, v3, vm0, $0xb8;
	[tilespmem:$0x10100] =	vst v63  }
0x27: {  	v3 =	vld [tilespmem:$0x10];
	_ =	sdelay $0x4  }
0x28: {  	v49 =	vshll.u32 v3, $0x1  }
0x29: {  	v3 =	vand.u32 $0x7, v3;
	v4 =	vand.u32 $0xFFFFFFF0, v49  }
0x2a: {  	v3 =	vor.u32 v3, v4  }
0x2b: {  	v4 =	vperm.xlane v3, v0;
	_ =	sdelay $0x1  }
0x2c: {  	v3 =	vperm.xlane v3, v2;
	v4 =	vadd.s32 v1, v4;
	_ =	sdelay $0x1  }
0x2d: {  	v3 =	vadd.s32 v1, v3;
	_ =	sdelay $0x1  }
0x2e: {  	s0 =	rddreg [dreg:$0x7]  }
0x2f: {  	[tilespmem:s0], [sflag:$0x1] =	stream.indirect_vreg.gather [hbm4b:s1+s3], $0x80, v4, vm0, $0xb8;
	[tilespmem:$0x10100] =	vst v63  }
0x30: {  	s8 =	rddreg [dreg:$0x8]  }
0x31: {  	[tilespmem:s8], [sflag:$0x1] =	stream.indirect_vreg.gather [hbm4b:s1+s3], $0x80, v3, vm0, $0xb8;
	[tilespmem:$0x10100] =	vst v63  }
0x32: {  	v3 =	vld [tilespmem:$0x20];
	_ =	sdelay $0x4  }
0x33: {  	v50 =	vshll.u32 v3, $0x1  }
0x34: {  	v3 =	vand.u32 $0x7, v3;
	v4 =	vand.u32 $0xFFFFFFF0, v50  }
0x35: {  	v3 =	vor.u32 v3, v4  }
0x36: {  	v4 =	vperm.xlane v3, v0;
	_ =	sdelay $0x1  }
0x37: {  	v3 =	vperm.xlane v3, v2;
	v4 =	vadd.s32 v1, v4;
	_ =	sdelay $0x1  }
0x38: {  	v3 =	vadd.s32 v1, v3;
	_ =	sdelay $0x1  }
0x39: {  	s0 =	rddreg [dreg:$0x9]  }
0x3a: {  	[tilespmem:s0], [sflag:$0x1] =	stream.indirect_vreg.gather [hbm4b:s1+s3], $0x80, v4, vm0, $0xb8;
	[tilespmem:$0x10100] =	vst v63  }
0x3b: {  	s8 =	rddreg [dreg:$0xa]  }
0x3c: {  	[tilespmem:s8], [sflag:$0x1] =	stream.indirect_vreg.gather [hbm4b:s1+s3], $0x80, v3, vm0, $0xb8;
	[tilespmem:$0x10100] =	vst v63  }
0x3d: {  	v3 =	vld [tilespmem:$0x30];
	_ =	sdelay $0x4  }
0x3e: {  	v51 =	vshll.u32 v3, $0x1  }
0x3f: {  	v3 =	vand.u32 $0x7, v3;
	v4 =	vand.u32 $0xFFFFFFF0, v51  }
0x40: {  	v3 =	vor.u32 v3, v4  }
0x41: {  	v4 =	vperm.xlane v3, v0;
	_ =	sdelay $0x1  }
0x42: {  	v3 =	vperm.xlane v3, v2;
	v4 =	vadd.s32 v1, v4;
	_ =	sdelay $0x1  }
0x43: {  	v3 =	vadd.s32 v1, v3;
	_ =	sdelay $0x1  }
0x44: {  	s0 =	rddreg [dreg:$0xb]  }
0x45: {  	[tilespmem:s0], [sflag:$0x1] =	stream.indirect_vreg.gather [hbm4b:s1+s3], $0x80, v4, vm0, $0xb8;
	[tilespmem:$0x10100] =	vst v63  }
0x46: {  	s8 =	rddreg [dreg:$0xc]  }
0x47: {  	[tilespmem:s8], [sflag:$0x1] =	stream.indirect_vreg.gather [hbm4b:s1+s3], $0x80, v3, vm0, $0xb8;
	[tilespmem:$0x10100] =	vst v63  }
0x48: {  	v3 =	vld [tilespmem:$0x40];
	_ =	sdelay $0x4  }
0x49: {  	v52 =	vshll.u32 v3, $0x1  }
0x4a: {  	v3 =	vand.u32 $0x7, v3;
	v4 =	vand.u32 $0xFFFFFFF0, v52  }
0x4b: {  	v3 =	vor.u32 v3, v4  }
0x4c: {  	v4 =	vperm.xlane v3, v0;
	_ =	sdelay $0x1  }
0x4d: {  	v3 =	vperm.xlane v3, v2;
	v4 =	vadd.s32 v1, v4;
	_ =	sdelay $0x1  }
0x4e: {  	v3 =	vadd.s32 v1, v3;
	_ =	sdelay $0x1  }
0x4f: {  	s0 =	rddreg [dreg:$0xd]  }
0x50: {  	[tilespmem:s0], [sflag:$0x1] =	stream.indirect_vreg.gather [hbm4b:s1+s3], $0x80, v4, vm0, $0xb8;
	[tilespmem:$0x10100] =	vst v63  }
0x51: {  	s8 =	rddreg [dreg:$0xe]  }
0x52: {  	[tilespmem:s8], [sflag:$0x1] =	stream.indirect_vreg.gather [hbm4b:s1+s3], $0x80, v3, vm0, $0xb8;
	[tilespmem:$0x10100] =	vst v63  }
0x53: {  	v3 =	vld [tilespmem:$0x50];
	_ =	sdelay $0x4  }
0x54: {  	v53 =	vshll.u32 v3, $0x1  }
0x55: {  	v3 =	vand.u32 $0x7, v3;
	v4 =	vand.u32 $0xFFFFFFF0, v53  }
0x56: {  	v3 =	vor.u32 v3, v4  }
0x57: {  	v4 =	vperm.xlane v3, v0;
	_ =	sdelay $0x1  }
0x58: {  	v3 =	vperm.xlane v3, v2;
	v4 =	vadd.s32 v1, v4;
	_ =	sdelay $0x1  }
0x59: {  	v3 =	vadd.s32 v1, v3;
	_ =	sdelay $0x1  }
0x5a: {  	s8 =	simm.s32 $0x5100  }
0x5b: {  	[tilespmem:s8], [sflag:$0x1] =	stream.indirect_vreg.gather [hbm4b:s1+s3], $0x80, v4, vm0, $0xb8;
	[tilespmem:$0x10100] =	vst v63  }
0x5c: {  	_ = 	snop  }
0x5d: {  	[tilespmem:s9], [sflag:$0x1] =	stream.indirect_vreg.gather [hbm4b:s1+s3], $0x80, v3, vm0, $0xb8;
	[tilespmem:$0x10100] =	vst v63  }
0x5e: {  	v3 =	vld [tilespmem:$0x60];
	_ =	sdelay $0x4  }
0x5f: {  	v54 =	vshll.u32 v3, $0x1  }
0x60: {  	v3 =	vand.u32 $0x7, v3;
	v4 =	vand.u32 $0xFFFFFFF0, v54  }
0x61: {  	v3 =	vor.u32 v3, v4  }
0x62: {  	v4 =	vperm.xlane v3, v0;
	_ =	sdelay $0x1  }
0x63: {  	v3 =	vperm.xlane v3, v2;
	v4 =	vadd.s32 v1, v4;
	_ =	sdelay $0x1  }
0x64: {  	v3 =	vadd.s32 v1, v3;
	_ =	sdelay $0x2  }
0x65: {  	[tilespmem:s10], [sflag:$0x1] =	stream.indirect_vreg.gather [hbm4b:s1+s3], $0x80, v4, vm0, $0xb8;
	[tilespmem:$0x10100] =	vst v63  }
0x66: {  	_ = 	snop  }
0x67: {  	[tilespmem:s11], [sflag:$0x1] =	stream.indirect_vreg.gather [hbm4b:s1+s3], $0x80, v3, vm0, $0xb8;
	[tilespmem:$0x10100] =	vst v63  }
0x68: {  	v3 =	vld [tilespmem:$0x70];
	_ =	sdelay $0x4  }
0x69: {  	v55 =	vshll.u32 v3, $0x1  }
0x6a: {  	v3 =	vand.u32 $0x7, v3;
	v4 =	vand.u32 $0xFFFFFFF0, v55  }
0x6b: {  	v3 =	vor.u32 v3, v4  }
0x6c: {  	v4 =	vperm.xlane v3, v0;
	_ =	sdelay $0x1  }
0x6d: {  	v3 =	vperm.xlane v3, v2;
	v4 =	vadd.s32 v1, v4;
	_ =	sdelay $0x1  }
0x6e: {  	v3 =	vadd.s32 v1, v3;
	_ =	sdelay $0x2  }
0x6f: {  	[tilespmem:s12], [sflag:$0x1] =	stream.indirect_vreg.gather [hbm4b:s1+s3], $0x80, v4, vm0, $0xb8;
	[tilespmem:$0x10100] =	vst v63  }
0x70: {  	_ = 	snop  }
0x71: {  	[tilespmem:s13], [sflag:$0x1] =	stream.indirect_vreg.gather [hbm4b:s1+s3], $0x80, v3, vm0, $0xb8;
	[tilespmem:$0x10100] =	vst v63  }
0x72: {  	v3 =	vld [tilespmem:$0x80];
	_ =	sdelay $0x4  }
0x73: {  	v56 =	vshll.u32 v3, $0x1  }
0x74: {  	v3 =	vand.u32 $0x7, v3;
	v4 =	vand.u32 $0xFFFFFFF0, v56  }
0x75: {  	v3 =	vor.u32 v3, v4  }
0x76: {  	v4 =	vperm.xlane v3, v0;
	_ =	sdelay $0x1  }
0x77: {  	v3 =	vperm.xlane v3, v2;
	v4 =	vadd.s32 v1, v4;
	_ =	sdelay $0x1  }
0x78: {  	v3 =	vadd.s32 v1, v3;
	_ =	sdelay $0x2  }
0x79: {  	[tilespmem:s14], [sflag:$0x2] =	stream.indirect_vreg.gather [hbm4b:s1+s3], $0x80, v4, vm0, $0xb8;
	[tilespmem:$0x10100] =	vst v63  }
0x7a: {  	_ = 	snop  }
0x7b: {  	[tilespmem:s15], [sflag:$0x2] =	stream.indirect_vreg.gather [hbm4b:s1+s3], $0x80, v3, vm0, $0xb8;
	[tilespmem:$0x10100] =	vst v63  }
0x7c: {  	v3 =	vld [tilespmem:$0x90];
	_ =	sdelay $0x4  }
0x7d: {  	v57 =	vshll.u32 v3, $0x1  }
0x7e: {  	v3 =	vand.u32 $0x7, v3;
	v4 =	vand.u32 $0xFFFFFFF0, v57  }
0x7f: {  	v3 =	vor.u32 v3, v4  }
0x80: {  	v4 =	vperm.xlane v3, v0;
	_ =	sdelay $0x1  }
0x81: {  	v3 =	vperm.xlane v3, v2;
	v4 =	vadd.s32 v1, v4;
	_ =	sdelay $0x1  }
0x82: {  	v3 =	vadd.s32 v1, v3;
	_ =	sdelay $0x2  }
0x83: {  	[tilespmem:s16], [sflag:$0x2] =	stream.indirect_vreg.gather [hbm4b:s1+s3], $0x80, v4, vm0, $0xb8;
	[tilespmem:$0x10100] =	vst v63  }
0x84: {  	_ = 	snop  }
0x85: {  	[tilespmem:s17], [sflag:$0x2] =	stream.indirect_vreg.gather [hbm4b:s1+s3], $0x80, v3, vm0, $0xb8;
	[tilespmem:$0x10100] =	vst v63  }
0x86: {  	v3 =	vld [tilespmem:$0xA0];
	_ =	sdelay $0x4  }
0x87: {  	v58 =	vshll.u32 v3, $0x1  }
0x88: {  	v3 =	vand.u32 $0x7, v3;
	v4 =	vand.u32 $0xFFFFFFF0, v58  }
0x89: {  	v3 =	vor.u32 v3, v4  }
0x8a: {  	v4 =	vperm.xlane v3, v0;
	_ =	sdelay $0x1  }
0x8b: {  	v3 =	vperm.xlane v3, v2;
	v4 =	vadd.s32 v1, v4;
	_ =	sdelay $0x1  }
0x8c: {  	v3 =	vadd.s32 v1, v3;
	_ =	sdelay $0x2  }
0x8d: {  	[tilespmem:s18], [sflag:$0x2] =	stream.indirect_vreg.gather [hbm4b:s1+s3], $0x80, v4, vm0, $0xb8;
	[tilespmem:$0x10100] =	vst v63  }
0x8e: {  	_ = 	snop  }
0x8f: {  	[tilespmem:s19], [sflag:$0x2] =	stream.indirect_vreg.gather [hbm4b:s1+s3], $0x80, v3, vm0, $0xb8;
	[tilespmem:$0x10100] =	vst v63  }
0x90: {  	v3 =	vld [tilespmem:$0xB0];
	_ =	sdelay $0x4  }
0x91: {  	v59 =	vshll.u32 v3, $0x1  }
0x92: {  	v3 =	vand.u32 $0x7, v3;
	v4 =	vand.u32 $0xFFFFFFF0, v59  }
0x93: {  	v3 =	vor.u32 v3, v4  }
0x94: {  	v4 =	vperm.xlane v3, v0;
	_ =	sdelay $0x1  }
0x95: {  	v3 =	vperm.xlane v3, v2;
	v4 =	vadd.s32 v1, v4;
	_ =	sdelay $0x1  }
0x96: {  	v3 =	vadd.s32 v1, v3;
	_ =	sdelay $0x2  }
0x97: {  	[tilespmem:s20], [sflag:$0x2] =	stream.indirect_vreg.gather [hbm4b:s1+s3], $0x80, v4, vm0, $0xb8;
	[tilespmem:$0x10100] =	vst v63  }
0x98: {  	_ = 	snop  }
0x99: {  	[tilespmem:s21], [sflag:$0x2] =	stream.indirect_vreg.gather [hbm4b:s1+s3], $0x80, v3, vm0, $0xb8;
	[tilespmem:$0x10100] =	vst v63  }
0x9a: {  	v3 =	vld [tilespmem:$0xC0];
	_ =	sdelay $0x4  }
0x9b: {  	v60 =	vshll.u32 v3, $0x1  }
0x9c: {  	v3 =	vand.u32 $0x7, v3;
	v4 =	vand.u32 $0xFFFFFFF0, v60  }
0x9d: {  	v3 =	vor.u32 v3, v4  }
0x9e: {  	v4 =	vperm.xlane v3, v0;
	_ =	sdelay $0x1  }
0x9f: {  	v3 =	vperm.xlane v3, v2;
	v4 =	vadd.s32 v1, v4;
	_ =	sdelay $0x1  }
0xa0: {  	v3 =	vadd.s32 v1, v3;
	_ =	sdelay $0x2  }
0xa1: {  	[tilespmem:s22], [sflag:$0x2] =	stream.indirect_vreg.gather [hbm4b:s1+s3], $0x80, v4, vm0, $0xb8;
	[tilespmem:$0x10100] =	vst v63  }
0xa2: {  	_ = 	snop  }
0xa3: {  	[tilespmem:s23], [sflag:$0x2] =	stream.indirect_vreg.gather [hbm4b:s1+s3], $0x80, v3, vm0, $0xb8;
	[tilespmem:$0x10100] =	vst v63  }
0xa4: {  	v3 =	vld [tilespmem:$0xD0];
	_ =	sdelay $0x4  }
0xa5: {  	v61 =	vshll.u32 v3, $0x1  }
0xa6: {  	v3 =	vand.u32 $0x7, v3;
	v4 =	vand.u32 $0xFFFFFFF0, v61  }
0xa7: {  	v3 =	vor.u32 v3, v4  }
0xa8: {  	v4 =	vperm.xlane v3, v0;
	_ =	sdelay $0x1  }
0xa9: {  	v3 =	vperm.xlane v3, v2;
	v4 =	vadd.s32 v1, v4;
	_ =	sdelay $0x1  }
0xaa: {  	v3 =	vadd.s32 v1, v3;
	_ =	sdelay $0x2  }
0xab: {  	[tilespmem:s24], [sflag:$0x2] =	stream.indirect_vreg.gather [hbm4b:s1+s3], $0x80, v4, vm0, $0xb8;
	[tilespmem:$0x10100] =	vst v63  }
0xac: {  	_ = 	snop  }
0xad: {  	[tilespmem:s25], [sflag:$0x2] =	stream.indirect_vreg.gather [hbm4b:s1+s3], $0x80, v3, vm0, $0xb8;
	[tilespmem:$0x10100] =	vst v63  }
0xae: {  	v3 =	vld [tilespmem:$0xE0];
	_ =	sdelay $0x4  }
0xaf: {  	v62 =	vshll.u32 v3, $0x1  }
0xb0: {  	v3 =	vand.u32 $0x7, v3;
	v4 =	vand.u32 $0xFFFFFFF0, v62  }
0xb1: {  	v3 =	vor.u32 v3, v4  }
0xb2: {  	v4 =	vperm.xlane v3, v0;
	_ =	sdelay $0x1  }
0xb3: {  	v3 =	vperm.xlane v3, v2;
	v4 =	vadd.s32 v1, v4;
	_ =	sdelay $0x1  }
0xb4: {  	v3 =	vadd.s32 v1, v3;
	_ =	sdelay $0x2  }
0xb5: {  	[tilespmem:s26], [sflag:$0x2] =	stream.indirect_vreg.gather [hbm4b:s1+s3], $0x80, v4, vm0, $0xb8;
	[tilespmem:$0x10100] =	vst v63  }
0xb6: {  	_ = 	snop  }
0xb7: {  	[tilespmem:s28], [sflag:$0x2] =	stream.indirect_vreg.gather [hbm4b:s1+s3], $0x80, v3, vm0, $0xb8;
	[tilespmem:$0x10100] =	vst v63  }
0xb8: {  	v3 =	vld [tilespmem:$0xF0];
	_ =	sdelay $0x4  }
0xb9: {  	v63 =	vshll.u32 v3, $0x1  }
0xba: {  	v3 =	vand.u32 $0x7, v3;
	v4 =	vand.u32 $0xFFFFFFF0, v63  }
0xbb: {  	v3 =	vor.u32 v3, v4  }
0xbc: {  	v4 =	vperm.xlane v3, v0;
	_ =	sdelay $0x1  }
0xbd: {  	v3 =	vperm.xlane v3, v2;
	v4 =	vadd.s32 v1, v4;
	_ =	sdelay $0x1  }
0xbe: {  	v3 =	vadd.s32 v1, v3;
	_ =	sdelay $0x2  }
0xbf: {  	[tilespmem:s29], [sflag:$0x2] =	stream.indirect_vreg.gather [hbm4b:s1+s3], $0x80, v4, vm0, $0xb8;
	[tilespmem:$0x10100] =	vst v63  }
0xc0: {  	_ = 	snop  }
0xc1: {  	[tilespmem:s30], [sflag:$0x2] =	stream.indirect_vreg.gather [hbm4b:s1+s3], $0x80, v3, vm0, $0xb8;
	[tilespmem:$0x10100] =	vst v63  }
0xc2: {  	_ =	swait.ge [sflag:s31], $0x8000  }
0xc3: {  	[sflag:s31] =	ssyncset.done $0x0  }
0xc4: {  	[sflag:s31] =	ssyncadd.s32 $0xFFFF8000  }
0xc5: {  	[hbm4b:s4+s3] =	stream.linear.scatter [tilespmem:s7], [sflag:$0x3], $0x8000, $0x38;
	[tilespmem:$0x10100] =	vst v63  }
0xc6: {  	_ =	swait.ge [sflag:s6], $0x8000  }
0xc7: {  	[sflag:s6] =	ssyncset.done $0x0  }
0xc8: {  	[sflag:s6] =	ssyncadd.s32 $0xFFFF8000  }
0xc9: {  	_ =	swait.ge [sflag:s2], $0x8000  }
0xca: {  	p0 =	sne.s32 s5, $0x1;
	[sflag:s2] =	ssyncset.done $0x0  }
.Ltmp0:
0xcb: {  	s8 =	rddreg [dreg:$0x5];
	[sflag:s2] =	ssyncadd.s32 $0xFFFF8000;
	(pc) =	sbr.rel @p0 .LBB2_1-.Ltmp0, $4  }
0xcc: {  	[hbm4b:s8+s3] =	stream.linear.scatter [tilespmem:s14], [sflag:$0x3], $0x8000, $0x38;
	[tilespmem:$0x10100] =	vst v63  }
0xcd: {  	_ =	swait.ge [sflag:s6], $0x8000  }
0xce: {  	[sflag:s6] =	ssyncset.done $0x0  }
0xcf: {  	s5 =	sadd.s32 $0xFFFFFFFF, s5;
	[sflag:s6] =	ssyncadd.s32 $0xFFFF8000  }
0xd0: {  	_ =	sfence.sel $0x180000  }
0xd1: {  	[bflag:$0x0] =	sbarrier.arrive $0xFFFF  }
0xd2: {  	_ =	strace $0x90000047  }
0xd3: {  	s0 =	stileid.u32;
	[bflag:$0x2] =	sbarrier.arrive $0xFFFF  }
0xd4: {  	p0 =	sne.s32 s0, $0x0;
	s0 =	rddreg [dreg:$0x3]  }
0xd5: {  	s0 =	sadd.s32 @!p0 $0x100000, s0  }
0xd6: {  	[sflag:s0] =	ssyncadd.tile.s32 @!p0 $0x1;
	_ =	shalt  }
.Lfunc_end2:
_tile_overlayer_lowered:
.L_overlay_start_2:
0xd7: {  	(tag) =	ssettag $0x2  }
0xd8: {  	s0 =	rddreg [dreg:$0x0];
	s2 =	stileid.u32  }
0xd9: {  	s1 =	rddreg [dreg:$0x1];
	p0 =	sne.s32 s2, $0x0  }
0xda: {  	s3 =	rddreg [dreg:$0x2];
	[bflag:$0x3] =	sbarrier.arrive $0xFFFF;
	s2 =	simm.s32 @!p0 $0x1C03  }
0xdb: {  	[timem:s3], [sflag:s2] =	dma.local @!p0 [hbm:s0], s1  }
0xdc: {  	s0 =	simm.s32 @!p0 $0x3  }
0xdd: {  	_ =	swait.ge @!p0 [sflag:s0], s1  }
0xde: {  	s1 =	ssub.s32 @!p0 $0x0, s1;
	[sflag:s0] =	ssyncset.done @!p0 $0x0  }
0xdf: {  	[sflag:s0] =	ssyncadd.s32 @!p0 s1  }
0xe0: {  	[bflag:$0x3] =	sbarrier.arrive $0xFFFF  }
0xe1: {  	_ =	shalt  }

</sc_bundles>
